<compile_context>
chip_gen: v7x
topology: tpu7x:2x2x1
jax: 0.10.2.dev20260603
libtpu: 0.0.44.dev20260713+nightly
codegen_flags: <defaults>
</compile_context>

<pallas_src>
import jax
import jax.numpy as jnp
from jax import lax
from jax.experimental import pallas as pl
from jax.experimental.pallas import tpu as pltpu
from jax.experimental.pallas import tpu_sc as plsc

_D = 129
_N = 100000
_B = 16384
_NW = 32
_RPW = (_D - 1) // _NW
_L = 16
_OCHUNK = 4096
_SEG = _B // _NW


def _gather_body(idx_hbm, tabt_hbm, last_hbm, outt_hbm,
                 idx_v, row_v, ob0, ob1, last_v, sem_w, sem_g, sem_s):
    wid = lax.axis_index("s") * 2 + lax.axis_index("c")
    row0_stage = pltpu.async_copy(
        tabt_hbm.at[pl.ds(wid * _RPW, 1)], row_v, sem_s)
    pltpu.sync_copy(idx_hbm, idx_v)
    zeros16 = jnp.zeros((_L,), jnp.int32)

    seg = wid * _SEG
    last_copies = [
        pltpu.async_copy(
            last_hbm.at[idx_v.at[0, pl.ds(seg + j * 128, 128)]],
            last_v.at[0, pl.ds(j * 128, 128)], sem_g)
        for j in range(_SEG // 128)
    ]

    bufs = (ob0, ob1)
    pending = []

    def gather_chunk(buf, cbase):
        @plsc.parallel_loop(0, _OCHUNK // _L, unroll=8)
        def _(b):
            idx16 = idx_v[0, pl.ds(cbase + b * _L, _L)]
            buf[0, pl.ds(b * _L, _L)] = plsc.load_gather(
                row_v, [zeros16, idx16])

    for t in range(_RPW):
        r = wid * _RPW + t
        if t == 0:
            row0_stage.wait()
        else:
            pltpu.sync_copy(tabt_hbm.at[pl.ds(r, 1)], row_v)
        for cc in range(_B // _OCHUNK):
            buf = bufs[cc % 2]
            if len(pending) >= 2:
                pending.pop(0).wait()
            gather_chunk(buf, cc * _OCHUNK)
            pending.append(pltpu.async_copy(
                buf, outt_hbm.at[pl.ds(r, 1), pl.ds(cc * _OCHUNK, _OCHUNK)],
                sem_w))
    while pending:
        pending.pop(0).wait()
    for c in last_copies:
        c.wait()
    pltpu.sync_copy(last_v, outt_hbm.at[pl.ds(_D - 1, 1), pl.ds(seg, _SEG)])


def kernel(batch, table):
    idx2d = batch.astype(jnp.int32).reshape(1, _B)
    tabt = table.T
    tab_last = table[:, _D - 1]
    run = pl.kernel(
        _gather_body,
        out_type=jax.ShapeDtypeStruct((_D, _B), jnp.float32),
        mesh=plsc.VectorSubcoreMesh(core_axis_name="c", subcore_axis_name="s"),
        scratch_types=[
            pltpu.VMEM((1, _B), jnp.int32),
            pltpu.VMEM((1, _N), jnp.float32),
            pltpu.VMEM((1, _OCHUNK), jnp.float32),
            pltpu.VMEM((1, _OCHUNK), jnp.float32),
            pltpu.VMEM((1, _SEG), jnp.float32),
            pltpu.SemaphoreType.DMA,
            pltpu.SemaphoreType.DMA,
            pltpu.SemaphoreType.DMA,
        ],
        compiler_params=pltpu.CompilerParams(needs_layout_passes=False),
    )
    outt = run(idx2d, tabt, tab_last)
    return outt.T

# --- scband reference (transcript-rebuilt; emitter-appended) ---
"""Pipeline reference for scband-deep-walk-neg-35699768164387 (READ-ONLY COPY).

The authoritative reference and input builder live on the scoring server;
editing this copy changes nothing except your own understanding.
"""

import jax, jax.numpy as jnp
import numpy as np

NUM_NODES = 100000
EMBEDDING_DIM = 64
TABLE_WIDTH = EMBEDDING_DIM * 2 + 1  # 129, matches Embedding(num_nodes, embedding_dim*2+1)
BATCH = 16384


def setup_inputs(seed: int = 0) -> dict:
    key = jax.random.key(seed)
    k_idx, k_tab = jax.random.split(key)
    batch = jax.random.randint(k_idx, (BATCH,), 0, NUM_NODES, dtype=jnp.int64 if jax.config.jax_enable_x64 else jnp.int32)
    # nn.Embedding default init: N(0, 1)
    table = jax.random.normal(k_tab, (NUM_NODES, TABLE_WIDTH), dtype=jnp.float32)
    return {"batch": batch, "table": table}


def reference(batch, table):
    # forward: emb.index_select(0, batch)
    return jnp.take(table, batch, axis=0)

if __name__ == "__main__":
    import jax
    _d = setup_inputs()
    print(jax.jit(kernel)(*tuple(_d.values())))

</pallas_src>

<mosaic_0001>
#map = affine_map<(d0, d1) -> (0, 0)>
#map1 = affine_map<(d0, d1) -> (0)>
module attributes {stable_mosaic.version = 14 : i64} {
  func.func @_gather_body(%arg0: i32, %arg1: i32, %arg2: memref<1x16384xi32, #tpu.memory_space<hbm>>, %arg3: memref<129x100000xf32, #tpu.memory_space<hbm>>, %arg4: memref<100000xf32, #tpu.memory_space<hbm>>, %arg5: memref<129x16384xf32, #tpu.memory_space<hbm>>, %arg6: memref<1x16384xi32, #tpu.memory_space<vmem>>, %arg7: memref<1x100000xf32, #tpu.memory_space<vmem>>, %arg8: memref<1x4096xf32, #tpu.memory_space<vmem>>, %arg9: memref<1x4096xf32, #tpu.memory_space<vmem>>, %arg10: memref<1x512xf32, #tpu.memory_space<vmem>>, %arg11: memref<!tpu.dma_semaphore, #tpu.memory_space<semaphore_mem>>, %arg12: memref<!tpu.dma_semaphore, #tpu.memory_space<semaphore_mem>>, %arg13: memref<!tpu.dma_semaphore, #tpu.memory_space<semaphore_mem>>) attributes {dimension_semantics = [#tpu.dimension_semantics<core_parallel>, #tpu.dimension_semantics<subcore_parallel>], iteration_bounds = array<i64: 2, 16>, scalar_prefetch = 0 : i64, scratch_operands = 8 : i64, tpu.core_type = #tpu.core_type<sc_vector_subcore>, window_params = [{transform_indices = #map}, {transform_indices = #map}, {transform_indices = #map1}, {transform_indices = #map}]} {
    %mul3A = arith.constant 2 : i32
    %mul3A_0 = arith.muli %arg1, %mul3A : i32
    %add3A = arith.addi %mul3A_0, %arg0 : i32
    %mul3A_1 = arith.constant 4 : i32
    %mul3A_2 = arith.muli %add3A, %mul3A_1 : i32
    %dma_start3A = arith.constant 0 : i32
    %dma_start3A_3 = tpu.memref_slice %arg3[%mul3A_2, %dma_start3A] : memref<129x100000xf32, #tpu.memory_space<hbm>> -> memref<1x100000xf32, #tpu.memory_space<hbm>>
    %dma_start3A_4 = arith.constant 0 : i32
    %dma_start3A_5 = tpu.memref_slice %arg3[%mul3A_2, %dma_start3A_4] : memref<129x100000xf32, #tpu.memory_space<hbm>> -> memref<1x100000xf32, #tpu.memory_space<hbm>>
    tpu.enqueue_dma source(%dma_start3A_5 : memref<1x100000xf32, #tpu.memory_space<hbm>>) target(%arg7 : memref<1x100000xf32, #tpu.memory_space<vmem>>) target_semaphore(%arg13 : memref<!tpu.dma_semaphore, #tpu.memory_space<semaphore_mem>>)
    "tpu.region"() ({
      %run_scoped3A = tpu.sem_alloc : memref<!tpu.dma_semaphore, #tpu.memory_space<semaphore_mem>>
      tpu.enqueue_dma source(%arg2 : memref<1x16384xi32, #tpu.memory_space<hbm>>) target(%arg6 : memref<1x16384xi32, #tpu.memory_space<vmem>>) target_semaphore(%run_scoped3A : memref<!tpu.dma_semaphore, #tpu.memory_space<semaphore_mem>>)
      tpu.wait_dma2 semaphore(%run_scoped3A : memref<!tpu.dma_semaphore, #tpu.memory_space<semaphore_mem>>) src(%arg2 : memref<1x16384xi32, #tpu.memory_space<hbm>>) dst(%arg6 : memref<1x16384xi32, #tpu.memory_space<vmem>>)
      tpu.yield
    }) : () -> ()
    %broadcast_in_dim3A = arith.constant 0 : i32
    %broadcast_in_dim3A_6 = vector.broadcast %broadcast_in_dim3A : i32 to vector<16xi32>
    %mul3A_7 = arith.constant 512 : i32
    %mul3A_8 = arith.muli %add3A, %mul3A_7 : i32
    %add3A_9 = arith.constant 0 : i32
    %add3A_10 = arith.addi %mul3A_8, %add3A_9 : i32
    %dma_start3A_11 = arith.constant 0 : i32
    %dma_start3A_12 = arith.constant 0 : i32
    %dma_start3A_13 = arith.constant 0 : i32
    %dma_start3A_14 = tpu.memref_slice %arg10[%dma_start3A_12, %dma_start3A_13] : memref<1x512xf32, #tpu.memory_space<vmem>> -> memref<1x128xf32, #tpu.memory_space<vmem>>
    %dma_start3A_15 = tpu.memref_squeeze %dma_start3A_14 : memref<1x128xf32, #tpu.memory_space<vmem>> -> memref<128xf32, #tpu.memory_space<vmem>>
    %dma_start3A_16 = tpu.memref_slice %arg6[%dma_start3A_11, %add3A_10] : memref<1x16384xi32, #tpu.memory_space<vmem>> -> memref<1x128xi32, #tpu.memory_space<vmem>>
    %dma_start3A_17 = tpu.memref_squeeze %dma_start3A_16 : memref<1x128xi32, #tpu.memory_space<vmem>> -> memref<128xi32, #tpu.memory_space<vmem>>
    %dma_start3A_18 = arith.constant 0 : i32
    %dma_start3A_19 = tpu.memref_slice %arg4[%dma_start3A_18] : memref<100000xf32, #tpu.memory_space<hbm>> -> memref<100000xf32, #tpu.memory_space<hbm>>
    tpu.enqueue_indirect_dma source(%dma_start3A_19 : memref<100000xf32, #tpu.memory_space<hbm>>) target(%dma_start3A_15 : memref<128xf32, #tpu.memory_space<vmem>>) offsets(%dma_start3A_17 : memref<128xi32, #tpu.memory_space<vmem>>) semaphore(%arg12 : memref<!tpu.dma_semaphore, #tpu.memory_space<semaphore_mem>>)
    %add3A_20 = arith.constant 128 : i32
    %add3A_21 = arith.addi %mul3A_8, %add3A_20 : i32
    %dma_start3A_22 = arith.constant 0 : i32
    %dma_start3A_23 = arith.constant 0 : i32
    %dma_start3A_24 = arith.constant 128 : i32
    %dma_start3A_25 = tpu.memref_slice %arg10[%dma_start3A_23, %dma_start3A_24] : memref<1x512xf32, #tpu.memory_space<vmem>> -> memref<1x128xf32, #tpu.memory_space<vmem>>
    %dma_start3A_26 = tpu.memref_squeeze %dma_start3A_25 : memref<1x128xf32, #tpu.memory_space<vmem>> -> memref<128xf32, #tpu.memory_space<vmem>>
    %dma_start3A_27 = tpu.memref_slice %arg6[%dma_start3A_22, %add3A_21] : memref<1x16384xi32, #tpu.memory_space<vmem>> -> memref<1x128xi32, #tpu.memory_space<vmem>>
    %dma_start3A_28 = tpu.memref_squeeze %dma_start3A_27 : memref<1x128xi32, #tpu.memory_space<vmem>> -> memref<128xi32, #tpu.memory_space<vmem>>
    %dma_start3A_29 = arith.constant 0 : i32
    %dma_start3A_30 = tpu.memref_slice %arg4[%dma_start3A_29] : memref<100000xf32, #tpu.memory_space<hbm>> -> memref<100000xf32, #tpu.memory_space<hbm>>
    tpu.enqueue_indirect_dma source(%dma_start3A_30 : memref<100000xf32, #tpu.memory_space<hbm>>) target(%dma_start3A_26 : memref<128xf32, #tpu.memory_space<vmem>>) offsets(%dma_start3A_28 : memref<128xi32, #tpu.memory_space<vmem>>) semaphore(%arg12 : memref<!tpu.dma_semaphore, #tpu.memory_space<semaphore_mem>>)
    %add3A_31 = arith.constant 256 : i32
    %add3A_32 = arith.addi %mul3A_8, %add3A_31 : i32
    %dma_start3A_33 = arith.constant 0 : i32
    %dma_start3A_34 = arith.constant 0 : i32
    %dma_start3A_35 = arith.constant 256 : i32
    %dma_start3A_36 = tpu.memref_slice %arg10[%dma_start3A_34, %dma_start3A_35] : memref<1x512xf32, #tpu.memory_space<vmem>> -> memref<1x128xf32, #tpu.memory_space<vmem>>
    %dma_start3A_37 = tpu.memref_squeeze %dma_start3A_36 : memref<1x128xf32, #tpu.memory_space<vmem>> -> memref<128xf32, #tpu.memory_space<vmem>>
    %dma_start3A_38 = tpu.memref_slice %arg6[%dma_start3A_33, %add3A_32] : memref<1x16384xi32, #tpu.memory_space<vmem>> -> memref<1x128xi32, #tpu.memory_space<vmem>>
    %dma_start3A_39 = tpu.memref_squeeze %dma_start3A_38 : memref<1x128xi32, #tpu.memory_space<vmem>> -> memref<128xi32, #tpu.memory_space<vmem>>
    %dma_start3A_40 = arith.constant 0 : i32
    %dma_start3A_41 = tpu.memref_slice %arg4[%dma_start3A_40] : memref<100000xf32, #tpu.memory_space<hbm>> -> memref<100000xf32, #tpu.memory_space<hbm>>
    tpu.enqueue_indirect_dma source(%dma_start3A_41 : memref<100000xf32, #tpu.memory_space<hbm>>) target(%dma_start3A_37 : memref<128xf32, #tpu.memory_space<vmem>>) offsets(%dma_start3A_39 : memref<128xi32, #tpu.memory_space<vmem>>) semaphore(%arg12 : memref<!tpu.dma_semaphore, #tpu.memory_space<semaphore_mem>>)
    %add3A_42 = arith.constant 384 : i32
    %add3A_43 = arith.addi %mul3A_8, %add3A_42 : i32
    %dma_start3A_44 = arith.constant 0 : i32
    %dma_start3A_45 = arith.constant 0 : i32
    %dma_start3A_46 = arith.constant 384 : i32
    %dma_start3A_47 = tpu.memref_slice %arg10[%dma_start3A_45, %dma_start3A_46] : memref<1x512xf32, #tpu.memory_space<vmem>> -> memref<1x128xf32, #tpu.memory_space<vmem>>
    %dma_start3A_48 = tpu.memref_squeeze %dma_start3A_47 : memref<1x128xf32, #tpu.memory_space<vmem>> -> memref<128xf32, #tpu.memory_space<vmem>>
    %dma_start3A_49 = tpu.memref_slice %arg6[%dma_start3A_44, %add3A_43] : memref<1x16384xi32, #tpu.memory_space<vmem>> -> memref<1x128xi32, #tpu.memory_space<vmem>>
    %dma_start3A_50 = tpu.memref_squeeze %dma_start3A_49 : memref<1x128xi32, #tpu.memory_space<vmem>> -> memref<128xi32, #tpu.memory_space<vmem>>
    %dma_start3A_51 = arith.constant 0 : i32
    %dma_start3A_52 = tpu.memref_slice %arg4[%dma_start3A_51] : memref<100000xf32, #tpu.memory_space<hbm>> -> memref<100000xf32, #tpu.memory_space<hbm>>
    tpu.enqueue_indirect_dma source(%dma_start3A_52 : memref<100000xf32, #tpu.memory_space<hbm>>) target(%dma_start3A_48 : memref<128xf32, #tpu.memory_space<vmem>>) offsets(%dma_start3A_50 : memref<128xi32, #tpu.memory_space<vmem>>) semaphore(%arg12 : memref<!tpu.dma_semaphore, #tpu.memory_space<semaphore_mem>>)
    %mul3A_53 = arith.constant 4 : i32
    %mul3A_54 = arith.muli %add3A, %mul3A_53 : i32
    %add3A_55 = arith.constant 0 : i32
    %add3A_56 = arith.addi %mul3A_54, %add3A_55 : i32
    %dma_wait3A = arith.constant 0 : i32
    %dma_wait3A_57 = tpu.memref_slice %arg3[%mul3A_2, %dma_wait3A] : memref<129x100000xf32, #tpu.memory_space<hbm>> -> memref<1x100000xf32, #tpu.memory_space<hbm>>
    %dma_wait3A_58 = arith.constant 0 : i32
    %dma_wait3A_59 = tpu.memref_slice %arg3[%mul3A_2, %dma_wait3A_58] : memref<129x100000xf32, #tpu.memory_space<hbm>> -> memref<1x100000xf32, #tpu.memory_space<hbm>>
    tpu.wait_dma2 semaphore(%arg13 : memref<!tpu.dma_semaphore, #tpu.memory_space<semaphore_mem>>) src(%dma_wait3A_59 : memref<1x100000xf32, #tpu.memory_space<hbm>>) dst(%arg7 : memref<1x100000xf32, #tpu.memory_space<vmem>>)
    %parallel_loop3A = arith.constant 0 : i32
    %parallel_loop3A_60 = arith.constant 256 : i32
    %parallel_loop3A_61 = arith.constant 1 : i32
    scf.for %parallel_loop3A_283 = %parallel_loop3A to %parallel_loop3A_60 step %parallel_loop3A_61  : i32 {
      %parallel_loop3A_284 = arith.constant 16 : i32
      %parallel_loop3A_285 = arith.muli %parallel_loop3A_283, %parallel_loop3A_284 : i32
      %parallel_loop3A_286 = arith.constant 0 : i32
      %parallel_loop3A_287 = arith.addi %parallel_loop3A_286, %parallel_loop3A_285 : i32
      %parallel_loop3A_288 = arith.constant 0 : i32
      %parallel_loop3A_289 = arith.index_cast %parallel_loop3A_288 : i32 to index
      %parallel_loop3A_290 = arith.index_cast %parallel_loop3A_287 : i32 to index
      %parallel_loop3A_291 = tpu.vector_load %arg6[%parallel_loop3A_289, %parallel_loop3A_290] {strides = array<i32>} : memref<1x16384xi32, #tpu.memory_space<vmem>>, vector<16xi32>,
      %parallel_loop3A_292 = tpu.vector_load_idx %arg7[%broadcast_in_dim3A_6, %parallel_loop3A_291] : memref<1x100000xf32, #tpu.memory_space<vmem>>[vector<16xi32>, vector<16xi32>], vector<16xf32>,
      %parallel_loop3A_293 = arith.constant 16 : i32
      %parallel_loop3A_294 = arith.muli %parallel_loop3A_283, %parallel_loop3A_293 : i32
      %parallel_loop3A_295 = arith.constant 0 : i32
      %parallel_loop3A_296 = arith.index_cast %parallel_loop3A_295 : i32 to index
      %parallel_loop3A_297 = arith.index_cast %parallel_loop3A_294 : i32 to index
      %parallel_loop3A_298 = tpu.vector_load %arg8[%parallel_loop3A_296, %parallel_loop3A_297] {strides = array<i32>} : memref<1x4096xf32, #tpu.memory_space<vmem>>, vector<16xf32>,
      tpu.vector_store %arg8[%parallel_loop3A_296, %parallel_loop3A_297], %parallel_loop3A_292 {strides = array<i32>} : memref<1x4096xf32, #tpu.memory_space<vmem>>, vector<16xf32>,
    } {sc.loop_unroll_factor = 8 : i64, sc.parallel_access}
    %dma_start3A_62 = arith.constant 0 : i32
    %dma_start3A_63 = tpu.memref_slice %arg5[%add3A_56, %dma_start3A_62] : memref<129x16384xf32, #tpu.memory_space<hbm>> -> memref<1x4096xf32, #tpu.memory_space<hbm>>
    %dma_start3A_64 = arith.constant 0 : i32
    %dma_start3A_65 = tpu.memref_slice %arg5[%add3A_56, %dma_start3A_64] : memref<129x16384xf32, #tpu.memory_space<hbm>> -> memref<1x4096xf32, #tpu.memory_space<hbm>>
    tpu.enqueue_dma source(%arg8 : memref<1x4096xf32, #tpu.memory_space<vmem>>) target(%dma_start3A_65 : memref<1x4096xf32, #tpu.memory_space<hbm>>) target_semaphore(%arg11 : memref<!tpu.dma_semaphore, #tpu.memory_space<semaphore_mem>>)
    %parallel_loop3A_66 = arith.constant 0 : i32
    %parallel_loop3A_67 = arith.constant 256 : i32
    %parallel_loop3A_68 = arith.constant 1 : i32
    scf.for %parallel_loop3A_283 = %parallel_loop3A_66 to %parallel_loop3A_67 step %parallel_loop3A_68  : i32 {
      %parallel_loop3A_284 = arith.constant 16 : i32
      %parallel_loop3A_285 = arith.muli %parallel_loop3A_283, %parallel_loop3A_284 : i32
      %parallel_loop3A_286 = arith.constant 4096 : i32
      %parallel_loop3A_287 = arith.addi %parallel_loop3A_286, %parallel_loop3A_285 : i32
      %parallel_loop3A_288 = arith.constant 0 : i32
      %parallel_loop3A_289 = arith.index_cast %parallel_loop3A_288 : i32 to index
      %parallel_loop3A_290 = arith.index_cast %parallel_loop3A_287 : i32 to index
      %parallel_loop3A_291 = tpu.vector_load %arg6[%parallel_loop3A_289, %parallel_loop3A_290] {strides = array<i32>} : memref<1x16384xi32, #tpu.memory_space<vmem>>, vector<16xi32>,
      %parallel_loop3A_292 = tpu.vector_load_idx %arg7[%broadcast_in_dim3A_6, %parallel_loop3A_291] : memref<1x100000xf32, #tpu.memory_space<vmem>>[vector<16xi32>, vector<16xi32>], vector<16xf32>,
      %parallel_loop3A_293 = arith.constant 16 : i32
      %parallel_loop3A_294 = arith.muli %parallel_loop3A_283, %parallel_loop3A_293 : i32
      %parallel_loop3A_295 = arith.constant 0 : i32
      %parallel_loop3A_296 = arith.index_cast %parallel_loop3A_295 : i32 to index
      %parallel_loop3A_297 = arith.index_cast %parallel_loop3A_294 : i32 to index
      %parallel_loop3A_298 = tpu.vector_load %arg9[%parallel_loop3A_296, %parallel_loop3A_297] {strides = array<i32>} : memref<1x4096xf32, #tpu.memory_space<vmem>>, vector<16xf32>,
      tpu.vector_store %arg9[%parallel_loop3A_296, %parallel_loop3A_297], %parallel_loop3A_292 {strides = array<i32>} : memref<1x4096xf32, #tpu.memory_space<vmem>>, vector<16xf32>,
    } {sc.loop_unroll_factor = 8 : i64, sc.parallel_access}
    %dma_start3A_69 = arith.constant 4096 : i32
    %dma_start3A_70 = tpu.memref_slice %arg5[%add3A_56, %dma_start3A_69] : memref<129x16384xf32, #tpu.memory_space<hbm>> -> memref<1x4096xf32, #tpu.memory_space<hbm>>
    %dma_start3A_71 = arith.constant 4096 : i32
    %dma_start3A_72 = tpu.memref_slice %arg5[%add3A_56, %dma_start3A_71] : memref<129x16384xf32, #tpu.memory_space<hbm>> -> memref<1x4096xf32, #tpu.memory_space<hbm>>
    tpu.enqueue_dma source(%arg9 : memref<1x4096xf32, #tpu.memory_space<vmem>>) target(%dma_start3A_72 : memref<1x4096xf32, #tpu.memory_space<hbm>>) target_semaphore(%arg11 : memref<!tpu.dma_semaphore, #tpu.memory_space<semaphore_mem>>)
    %dma_wait3A_73 = arith.constant 0 : i32
    %dma_wait3A_74 = tpu.memref_slice %arg5[%add3A_56, %dma_wait3A_73] : memref<129x16384xf32, #tpu.memory_space<hbm>> -> memref<1x4096xf32, #tpu.memory_space<hbm>>
    %dma_wait3A_75 = arith.constant 0 : i32
    %dma_wait3A_76 = tpu.memref_slice %arg5[%add3A_56, %dma_wait3A_75] : memref<129x16384xf32, #tpu.memory_space<hbm>> -> memref<1x4096xf32, #tpu.memory_space<hbm>>
    tpu.wait_dma2 semaphore(%arg11 : memref<!tpu.dma_semaphore, #tpu.memory_space<semaphore_mem>>) src(%arg8 : memref<1x4096xf32, #tpu.memory_space<vmem>>) dst(%dma_wait3A_76 : memref<1x4096xf32, #tpu.memory_space<hbm>>)
    %parallel_loop3A_77 = arith.constant 0 : i32
    %parallel_loop3A_78 = arith.constant 256 : i32
    %parallel_loop3A_79 = arith.constant 1 : i32
    scf.for %parallel_loop3A_283 = %parallel_loop3A_77 to %parallel_loop3A_78 step %parallel_loop3A_79  : i32 {
      %parallel_loop3A_284 = arith.constant 16 : i32
      %parallel_loop3A_285 = arith.muli %parallel_loop3A_283, %parallel_loop3A_284 : i32
      %parallel_loop3A_286 = arith.constant 8192 : i32
      %parallel_loop3A_287 = arith.addi %parallel_loop3A_286, %parallel_loop3A_285 : i32
      %parallel_loop3A_288 = arith.constant 0 : i32
      %parallel_loop3A_289 = arith.index_cast %parallel_loop3A_288 : i32 to index
      %parallel_loop3A_290 = arith.index_cast %parallel_loop3A_287 : i32 to index
      %parallel_loop3A_291 = tpu.vector_load %arg6[%parallel_loop3A_289, %parallel_loop3A_290] {strides = array<i32>} : memref<1x16384xi32, #tpu.memory_space<vmem>>, vector<16xi32>,
      %parallel_loop3A_292 = tpu.vector_load_idx %arg7[%broadcast_in_dim3A_6, %parallel_loop3A_291] : memref<1x100000xf32, #tpu.memory_space<vmem>>[vector<16xi32>, vector<16xi32>], vector<16xf32>,
      %parallel_loop3A_293 = arith.constant 16 : i32
      %parallel_loop3A_294 = arith.muli %parallel_loop3A_283, %parallel_loop3A_293 : i32
      %parallel_loop3A_295 = arith.constant 0 : i32
      %parallel_loop3A_296 = arith.index_cast %parallel_loop3A_295 : i32 to index
      %parallel_loop3A_297 = arith.index_cast %parallel_loop3A_294 : i32 to index
      %parallel_loop3A_298 = tpu.vector_load %arg8[%parallel_loop3A_296, %parallel_loop3A_297] {strides = array<i32>} : memref<1x4096xf32, #tpu.memory_space<vmem>>, vector<16xf32>,
      tpu.vector_store %arg8[%parallel_loop3A_296, %parallel_loop3A_297], %parallel_loop3A_292 {strides = array<i32>} : memref<1x4096xf32, #tpu.memory_space<vmem>>, vector<16xf32>,
    } {sc.loop_unroll_factor = 8 : i64, sc.parallel_access}
    %dma_start3A_80 = arith.constant 8192 : i32
    %dma_start3A_81 = tpu.memref_slice %arg5[%add3A_56, %dma_start3A_80] : memref<129x16384xf32, #tpu.memory_space<hbm>> -> memref<1x4096xf32, #tpu.memory_space<hbm>>
    %dma_start3A_82 = arith.constant 8192 : i32
    %dma_start3A_83 = tpu.memref_slice %arg5[%add3A_56, %dma_start3A_82] : memref<129x16384xf32, #tpu.memory_space<hbm>> -> memref<1x4096xf32, #tpu.memory_space<hbm>>
    tpu.enqueue_dma source(%arg8 : memref<1x4096xf32, #tpu.memory_space<vmem>>) target(%dma_start3A_83 : memref<1x4096xf32, #tpu.memory_space<hbm>>) target_semaphore(%arg11 : memref<!tpu.dma_semaphore, #tpu.memory_space<semaphore_mem>>)
    %dma_wait3A_84 = arith.constant 4096 : i32
    %dma_wait3A_85 = tpu.memref_slice %arg5[%add3A_56, %dma_wait3A_84] : memref<129x16384xf32, #tpu.memory_space<hbm>> -> memref<1x4096xf32, #tpu.memory_space<hbm>>
    %dma_wait3A_86 = arith.constant 4096 : i32
    %dma_wait3A_87 = tpu.memref_slice %arg5[%add3A_56, %dma_wait3A_86] : memref<129x16384xf32, #tpu.memory_space<hbm>> -> memref<1x4096xf32, #tpu.memory_space<hbm>>
    tpu.wait_dma2 semaphore(%arg11 : memref<!tpu.dma_semaphore, #tpu.memory_space<semaphore_mem>>) src(%arg9 : memref<1x4096xf32, #tpu.memory_space<vmem>>) dst(%dma_wait3A_87 : memref<1x4096xf32, #tpu.memory_space<hbm>>)
    %parallel_loop3A_88 = arith.constant 0 : i32
    %parallel_loop3A_89 = arith.constant 256 : i32
    %parallel_loop3A_90 = arith.constant 1 : i32
    scf.for %parallel_loop3A_283 = %parallel_loop3A_88 to %parallel_loop3A_89 step %parallel_loop3A_90  : i32 {
      %parallel_loop3A_284 = arith.constant 16 : i32
      %parallel_loop3A_285 = arith.muli %parallel_loop3A_283, %parallel_loop3A_284 : i32
      %parallel_loop3A_286 = arith.constant 12288 : i32
      %parallel_loop3A_287 = arith.addi %parallel_loop3A_286, %parallel_loop3A_285 : i32
      %parallel_loop3A_288 = arith.constant 0 : i32
      %parallel_loop3A_289 = arith.index_cast %parallel_loop3A_288 : i32 to index
      %parallel_loop3A_290 = arith.index_cast %parallel_loop3A_287 : i32 to index
      %parallel_loop3A_291 = tpu.vector_load %arg6[%parallel_loop3A_289, %parallel_loop3A_290] {strides = array<i32>} : memref<1x16384xi32, #tpu.memory_space<vmem>>, vector<16xi32>,
      %parallel_loop3A_292 = tpu.vector_load_idx %arg7[%broadcast_in_dim3A_6, %parallel_loop3A_291] : memref<1x100000xf32, #tpu.memory_space<vmem>>[vector<16xi32>, vector<16xi32>], vector<16xf32>,
      %parallel_loop3A_293 = arith.constant 16 : i32
      %parallel_loop3A_294 = arith.muli %parallel_loop3A_283, %parallel_loop3A_293 : i32
      %parallel_loop3A_295 = arith.constant 0 : i32
      %parallel_loop3A_296 = arith.index_cast %parallel_loop3A_295 : i32 to index
      %parallel_loop3A_297 = arith.index_cast %parallel_loop3A_294 : i32 to index
      %parallel_loop3A_298 = tpu.vector_load %arg9[%parallel_loop3A_296, %parallel_loop3A_297] {strides = array<i32>} : memref<1x4096xf32, #tpu.memory_space<vmem>>, vector<16xf32>,
      tpu.vector_store %arg9[%parallel_loop3A_296, %parallel_loop3A_297], %parallel_loop3A_292 {strides = array<i32>} : memref<1x4096xf32, #tpu.memory_space<vmem>>, vector<16xf32>,
    } {sc.loop_unroll_factor = 8 : i64, sc.parallel_access}
    %dma_start3A_91 = arith.constant 12288 : i32
    %dma_start3A_92 = tpu.memref_slice %arg5[%add3A_56, %dma_start3A_91] : memref<129x16384xf32, #tpu.memory_space<hbm>> -> memref<1x4096xf32, #tpu.memory_space<hbm>>
    %dma_start3A_93 = arith.constant 12288 : i32
    %dma_start3A_94 = tpu.memref_slice %arg5[%add3A_56, %dma_start3A_93] : memref<129x16384xf32, #tpu.memory_space<hbm>> -> memref<1x4096xf32, #tpu.memory_space<hbm>>
    tpu.enqueue_dma source(%arg9 : memref<1x4096xf32, #tpu.memory_space<vmem>>) target(%dma_start3A_94 : memref<1x4096xf32, #tpu.memory_space<hbm>>) target_semaphore(%arg11 : memref<!tpu.dma_semaphore, #tpu.memory_space<semaphore_mem>>)
    %mul3A_95 = arith.constant 4 : i32
    %mul3A_96 = arith.muli %add3A, %mul3A_95 : i32
    %add3A_97 = arith.constant 1 : i32
    %add3A_98 = arith.addi %mul3A_96, %add3A_97 : i32
    "tpu.region"() ({
      %run_scoped3A = tpu.sem_alloc : memref<!tpu.dma_semaphore, #tpu.memory_space<semaphore_mem>>
      %dma_start3A_283 = arith.constant 0 : i32
      %dma_start3A_284 = tpu.memref_slice %arg3[%add3A_98, %dma_start3A_283] : memref<129x100000xf32, #tpu.memory_space<hbm>> -> memref<1x100000xf32, #tpu.memory_space<hbm>>
      %dma_start3A_285 = arith.constant 0 : i32
      %dma_start3A_286 = tpu.memref_slice %arg3[%add3A_98, %dma_start3A_285] : memref<129x100000xf32, #tpu.memory_space<hbm>> -> memref<1x100000xf32, #tpu.memory_space<hbm>>
      tpu.enqueue_dma source(%dma_start3A_286 : memref<1x100000xf32, #tpu.memory_space<hbm>>) target(%arg7 : memref<1x100000xf32, #tpu.memory_space<vmem>>) target_semaphore(%run_scoped3A : memref<!tpu.dma_semaphore, #tpu.memory_space<semaphore_mem>>)
      %dma_wait3A_287 = arith.constant 0 : i32
      %dma_wait3A_288 = tpu.memref_slice %arg3[%add3A_98, %dma_wait3A_287] : memref<129x100000xf32, #tpu.memory_space<hbm>> -> memref<1x100000xf32, #tpu.memory_space<hbm>>
      %dma_wait3A_289 = arith.constant 0 : i32
      %dma_wait3A_290 = tpu.memref_slice %arg3[%add3A_98, %dma_wait3A_289] : memref<129x100000xf32, #tpu.memory_space<hbm>> -> memref<1x100000xf32, #tpu.memory_space<hbm>>
      tpu.wait_dma2 semaphore(%run_scoped3A : memref<!tpu.dma_semaphore, #tpu.memory_space<semaphore_mem>>) src(%dma_wait3A_290 : memref<1x100000xf32, #tpu.memory_space<hbm>>) dst(%arg7 : memref<1x100000xf32, #tpu.memory_space<vmem>>)
      tpu.yield
    }) : () -> ()
    %dma_wait3A_99 = arith.constant 8192 : i32
    %dma_wait3A_100 = tpu.memref_slice %arg5[%add3A_56, %dma_wait3A_99] : memref<129x16384xf32, #tpu.memory_space<hbm>> -> memref<1x4096xf32, #tpu.memory_space<hbm>>
    %dma_wait3A_101 = arith.constant 8192 : i32
    %dma_wait3A_102 = tpu.memref_slice %arg5[%add3A_56, %dma_wait3A_101] : memref<129x16384xf32, #tpu.memory_space<hbm>> -> memref<1x4096xf32, #tpu.memory_space<hbm>>
    tpu.wait_dma2 semaphore(%arg11 : memref<!tpu.dma_semaphore, #tpu.memory_space<semaphore_mem>>) src(%arg8 : memref<1x4096xf32, #tpu.memory_space<vmem>>) dst(%dma_wait3A_102 : memref<1x4096xf32, #tpu.memory_space<hbm>>)
    %parallel_loop3A_103 = arith.constant 0 : i32
    %parallel_loop3A_104 = arith.constant 256 : i32
    %parallel_loop3A_105 = arith.constant 1 : i32
    scf.for %parallel_loop3A_283 = %parallel_loop3A_103 to %parallel_loop3A_104 step %parallel_loop3A_105  : i32 {
      %parallel_loop3A_284 = arith.constant 16 : i32
      %parallel_loop3A_285 = arith.muli %parallel_loop3A_283, %parallel_loop3A_284 : i32
      %parallel_loop3A_286 = arith.constant 0 : i32
      %parallel_loop3A_287 = arith.addi %parallel_loop3A_286, %parallel_loop3A_285 : i32
      %parallel_loop3A_288 = arith.constant 0 : i32
      %parallel_loop3A_289 = arith.index_cast %parallel_loop3A_288 : i32 to index
      %parallel_loop3A_290 = arith.index_cast %parallel_loop3A_287 : i32 to index
      %parallel_loop3A_291 = tpu.vector_load %arg6[%parallel_loop3A_289, %parallel_loop3A_290] {strides = array<i32>} : memref<1x16384xi32, #tpu.memory_space<vmem>>, vector<16xi32>,
      %parallel_loop3A_292 = tpu.vector_load_idx %arg7[%broadcast_in_dim3A_6, %parallel_loop3A_291] : memref<1x100000xf32, #tpu.memory_space<vmem>>[vector<16xi32>, vector<16xi32>], vector<16xf32>,
      %parallel_loop3A_293 = arith.constant 16 : i32
      %parallel_loop3A_294 = arith.muli %parallel_loop3A_283, %parallel_loop3A_293 : i32
      %parallel_loop3A_295 = arith.constant 0 : i32
      %parallel_loop3A_296 = arith.index_cast %parallel_loop3A_295 : i32 to index
      %parallel_loop3A_297 = arith.index_cast %parallel_loop3A_294 : i32 to index
      %parallel_loop3A_298 = tpu.vector_load %arg8[%parallel_loop3A_296, %parallel_loop3A_297] {strides = array<i32>} : memref<1x4096xf32, #tpu.memory_space<vmem>>, vector<16xf32>,
      tpu.vector_store %arg8[%parallel_loop3A_296, %parallel_loop3A_297], %parallel_loop3A_292 {strides = array<i32>} : memref<1x4096xf32, #tpu.memory_space<vmem>>, vector<16xf32>,
    } {sc.loop_unroll_factor = 8 : i64, sc.parallel_access}
    %dma_start3A_106 = arith.constant 0 : i32
    %dma_start3A_107 = tpu.memref_slice %arg5[%add3A_98, %dma_start3A_106] : memref<129x16384xf32, #tpu.memory_space<hbm>> -> memref<1x4096xf32, #tpu.memory_space<hbm>>
    %dma_start3A_108 = arith.constant 0 : i32
    %dma_start3A_109 = tpu.memref_slice %arg5[%add3A_98, %dma_start3A_108] : memref<129x16384xf32, #tpu.memory_space<hbm>> -> memref<1x4096xf32, #tpu.memory_space<hbm>>
    tpu.enqueue_dma source(%arg8 : memref<1x4096xf32, #tpu.memory_space<vmem>>) target(%dma_start3A_109 : memref<1x4096xf32, #tpu.memory_space<hbm>>) target_semaphore(%arg11 : memref<!tpu.dma_semaphore, #tpu.memory_space<semaphore_mem>>)
    %dma_wait3A_110 = arith.constant 12288 : i32
    %dma_wait3A_111 = tpu.memref_slice %arg5[%add3A_56, %dma_wait3A_110] : memref<129x16384xf32, #tpu.memory_space<hbm>> -> memref<1x4096xf32, #tpu.memory_space<hbm>>
    %dma_wait3A_112 = arith.constant 12288 : i32
    %dma_wait3A_113 = tpu.memref_slice %arg5[%add3A_56, %dma_wait3A_112] : memref<129x16384xf32, #tpu.memory_space<hbm>> -> memref<1x4096xf32, #tpu.memory_space<hbm>>
    tpu.wait_dma2 semaphore(%arg11 : memref<!tpu.dma_semaphore, #tpu.memory_space<semaphore_mem>>) src(%arg9 : memref<1x4096xf32, #tpu.memory_space<vmem>>) dst(%dma_wait3A_113 : memref<1x4096xf32, #tpu.memory_space<hbm>>)
    %parallel_loop3A_114 = arith.constant 0 : i32
    %parallel_loop3A_115 = arith.constant 256 : i32
    %parallel_loop3A_116 = arith.constant 1 : i32
    scf.for %parallel_loop3A_283 = %parallel_loop3A_114 to %parallel_loop3A_115 step %parallel_loop3A_116  : i32 {
      %parallel_loop3A_284 = arith.constant 16 : i32
      %parallel_loop3A_285 = arith.muli %parallel_loop3A_283, %parallel_loop3A_284 : i32
      %parallel_loop3A_286 = arith.constant 4096 : i32
      %parallel_loop3A_287 = arith.addi %parallel_loop3A_286, %parallel_loop3A_285 : i32
      %parallel_loop3A_288 = arith.constant 0 : i32
      %parallel_loop3A_289 = arith.index_cast %parallel_loop3A_288 : i32 to index
      %parallel_loop3A_290 = arith.index_cast %parallel_loop3A_287 : i32 to index
      %parallel_loop3A_291 = tpu.vector_load %arg6[%parallel_loop3A_289, %parallel_loop3A_290] {strides = array<i32>} : memref<1x16384xi32, #tpu.memory_space<vmem>>, vector<16xi32>,
      %parallel_loop3A_292 = tpu.vector_load_idx %arg7[%broadcast_in_dim3A_6, %parallel_loop3A_291] : memref<1x100000xf32, #tpu.memory_space<vmem>>[vector<16xi32>, vector<16xi32>], vector<16xf32>,
      %parallel_loop3A_293 = arith.constant 16 : i32
      %parallel_loop3A_294 = arith.muli %parallel_loop3A_283, %parallel_loop3A_293 : i32
      %parallel_loop3A_295 = arith.constant 0 : i32
      %parallel_loop3A_296 = arith.index_cast %parallel_loop3A_295 : i32 to index
      %parallel_loop3A_297 = arith.index_cast %parallel_loop3A_294 : i32 to index
      %parallel_loop3A_298 = tpu.vector_load %arg9[%parallel_loop3A_296, %parallel_loop3A_297] {strides = array<i32>} : memref<1x4096xf32, #tpu.memory_space<vmem>>, vector<16xf32>,
      tpu.vector_store %arg9[%parallel_loop3A_296, %parallel_loop3A_297], %parallel_loop3A_292 {strides = array<i32>} : memref<1x4096xf32, #tpu.memory_space<vmem>>, vector<16xf32>,
    } {sc.loop_unroll_factor = 8 : i64, sc.parallel_access}
    %dma_start3A_117 = arith.constant 4096 : i32
    %dma_start3A_118 = tpu.memref_slice %arg5[%add3A_98, %dma_start3A_117] : memref<129x16384xf32, #tpu.memory_space<hbm>> -> memref<1x4096xf32, #tpu.memory_space<hbm>>
    %dma_start3A_119 = arith.constant 4096 : i32
    %dma_start3A_120 = tpu.memref_slice %arg5[%add3A_98, %dma_start3A_119] : memref<129x16384xf32, #tpu.memory_space<hbm>> -> memref<1x4096xf32, #tpu.memory_space<hbm>>
    tpu.enqueue_dma source(%arg9 : memref<1x4096xf32, #tpu.memory_space<vmem>>) target(%dma_start3A_120 : memref<1x4096xf32, #tpu.memory_space<hbm>>) target_semaphore(%arg11 : memref<!tpu.dma_semaphore, #tpu.memory_space<semaphore_mem>>)
    %dma_wait3A_121 = arith.constant 0 : i32
    %dma_wait3A_122 = tpu.memref_slice %arg5[%add3A_98, %dma_wait3A_121] : memref<129x16384xf32, #tpu.memory_space<hbm>> -> memref<1x4096xf32, #tpu.memory_space<hbm>>
    %dma_wait3A_123 = arith.constant 0 : i32
    %dma_wait3A_124 = tpu.memref_slice %arg5[%add3A_98, %dma_wait3A_123] : memref<129x16384xf32, #tpu.memory_space<hbm>> -> memref<1x4096xf32, #tpu.memory_space<hbm>>
    tpu.wait_dma2 semaphore(%arg11 : memref<!tpu.dma_semaphore, #tpu.memory_space<semaphore_mem>>) src(%arg8 : memref<1x4096xf32, #tpu.memory_space<vmem>>) dst(%dma_wait3A_124 : memref<1x4096xf32, #tpu.memory_space<hbm>>)
    %parallel_loop3A_125 = arith.constant 0 : i32
    %parallel_loop3A_126 = arith.constant 256 : i32
    %parallel_loop3A_127 = arith.constant 1 : i32
    scf.for %parallel_loop3A_283 = %parallel_loop3A_125 to %parallel_loop3A_126 step %parallel_loop3A_127  : i32 {
      %parallel_loop3A_284 = arith.constant 16 : i32
      %parallel_loop3A_285 = arith.muli %parallel_loop3A_283, %parallel_loop3A_284 : i32
      %parallel_loop3A_286 = arith.constant 8192 : i32
      %parallel_loop3A_287 = arith.addi %parallel_loop3A_286, %parallel_loop3A_285 : i32
      %parallel_loop3A_288 = arith.constant 0 : i32
      %parallel_loop3A_289 = arith.index_cast %parallel_loop3A_288 : i32 to index
      %parallel_loop3A_290 = arith.index_cast %parallel_loop3A_287 : i32 to index
      %parallel_loop3A_291 = tpu.vector_load %arg6[%parallel_loop3A_289, %parallel_loop3A_290] {strides = array<i32>} : memref<1x16384xi32, #tpu.memory_space<vmem>>, vector<16xi32>,
      %parallel_loop3A_292 = tpu.vector_load_idx %arg7[%broadcast_in_dim3A_6, %parallel_loop3A_291] : memref<1x100000xf32, #tpu.memory_space<vmem>>[vector<16xi32>, vector<16xi32>], vector<16xf32>,
      %parallel_loop3A_293 = arith.constant 16 : i32
      %parallel_loop3A_294 = arith.muli %parallel_loop3A_283, %parallel_loop3A_293 : i32
      %parallel_loop3A_295 = arith.constant 0 : i32
      %parallel_loop3A_296 = arith.index_cast %parallel_loop3A_295 : i32 to index
      %parallel_loop3A_297 = arith.index_cast %parallel_loop3A_294 : i32 to index
      %parallel_loop3A_298 = tpu.vector_load %arg8[%parallel_loop3A_296, %parallel_loop3A_297] {strides = array<i32>} : memref<1x4096xf32, #tpu.memory_space<vmem>>, vector<16xf32>,
      tpu.vector_store %arg8[%parallel_loop3A_296, %parallel_loop3A_297], %parallel_loop3A_292 {strides = array<i32>} : memref<1x4096xf32, #tpu.memory_space<vmem>>, vector<16xf32>,
    } {sc.loop_unroll_factor = 8 : i64, sc.parallel_access}
    %dma_start3A_128 = arith.constant 8192 : i32
    %dma_start3A_129 = tpu.memref_slice %arg5[%add3A_98, %dma_start3A_128] : memref<129x16384xf32, #tpu.memory_space<hbm>> -> memref<1x4096xf32, #tpu.memory_space<hbm>>
    %dma_start3A_130 = arith.constant 8192 : i32
    %dma_start3A_131 = tpu.memref_slice %arg5[%add3A_98, %dma_start3A_130] : memref<129x16384xf32, #tpu.memory_space<hbm>> -> memref<1x4096xf32, #tpu.memory_space<hbm>>
    tpu.enqueue_dma source(%arg8 : memref<1x4096xf32, #tpu.memory_space<vmem>>) target(%dma_start3A_131 : memref<1x4096xf32, #tpu.memory_space<hbm>>) target_semaphore(%arg11 : memref<!tpu.dma_semaphore, #tpu.memory_space<semaphore_mem>>)
    %dma_wait3A_132 = arith.constant 4096 : i32
    %dma_wait3A_133 = tpu.memref_slice %arg5[%add3A_98, %dma_wait3A_132] : memref<129x16384xf32, #tpu.memory_space<hbm>> -> memref<1x4096xf32, #tpu.memory_space<hbm>>
    %dma_wait3A_134 = arith.constant 4096 : i32
    %dma_wait3A_135 = tpu.memref_slice %arg5[%add3A_98, %dma_wait3A_134] : memref<129x16384xf32, #tpu.memory_space<hbm>> -> memref<1x4096xf32, #tpu.memory_space<hbm>>
    tpu.wait_dma2 semaphore(%arg11 : memref<!tpu.dma_semaphore, #tpu.memory_space<semaphore_mem>>) src(%arg9 : memref<1x4096xf32, #tpu.memory_space<vmem>>) dst(%dma_wait3A_135 : memref<1x4096xf32, #tpu.memory_space<hbm>>)
    %parallel_loop3A_136 = arith.constant 0 : i32
    %parallel_loop3A_137 = arith.constant 256 : i32
    %parallel_loop3A_138 = arith.constant 1 : i32
    scf.for %parallel_loop3A_283 = %parallel_loop3A_136 to %parallel_loop3A_137 step %parallel_loop3A_138  : i32 {
      %parallel_loop3A_284 = arith.constant 16 : i32
      %parallel_loop3A_285 = arith.muli %parallel_loop3A_283, %parallel_loop3A_284 : i32
      %parallel_loop3A_286 = arith.constant 12288 : i32
      %parallel_loop3A_287 = arith.addi %parallel_loop3A_286, %parallel_loop3A_285 : i32
      %parallel_loop3A_288 = arith.constant 0 : i32
      %parallel_loop3A_289 = arith.index_cast %parallel_loop3A_288 : i32 to index
      %parallel_loop3A_290 = arith.index_cast %parallel_loop3A_287 : i32 to index
      %parallel_loop3A_291 = tpu.vector_load %arg6[%parallel_loop3A_289, %parallel_loop3A_290] {strides = array<i32>} : memref<1x16384xi32, #tpu.memory_space<vmem>>, vector<16xi32>,
      %parallel_loop3A_292 = tpu.vector_load_idx %arg7[%broadcast_in_dim3A_6, %parallel_loop3A_291] : memref<1x100000xf32, #tpu.memory_space<vmem>>[vector<16xi32>, vector<16xi32>], vector<16xf32>,
      %parallel_loop3A_293 = arith.constant 16 : i32
      %parallel_loop3A_294 = arith.muli %parallel_loop3A_283, %parallel_loop3A_293 : i32
      %parallel_loop3A_295 = arith.constant 0 : i32
      %parallel_loop3A_296 = arith.index_cast %parallel_loop3A_295 : i32 to index
      %parallel_loop3A_297 = arith.index_cast %parallel_loop3A_294 : i32 to index
      %parallel_loop3A_298 = tpu.vector_load %arg9[%parallel_loop3A_296, %parallel_loop3A_297] {strides = array<i32>} : memref<1x4096xf32, #tpu.memory_space<vmem>>, vector<16xf32>,
      tpu.vector_store %arg9[%parallel_loop3A_296, %parallel_loop3A_297], %parallel_loop3A_292 {strides = array<i32>} : memref<1x4096xf32, #tpu.memory_space<vmem>>, vector<16xf32>,
    } {sc.loop_unroll_factor = 8 : i64, sc.parallel_access}
    %dma_start3A_139 = arith.constant 12288 : i32
    %dma_start3A_140 = tpu.memref_slice %arg5[%add3A_98, %dma_start3A_139] : memref<129x16384xf32, #tpu.memory_space<hbm>> -> memref<1x4096xf32, #tpu.memory_space<hbm>>
    %dma_start3A_141 = arith.constant 12288 : i32
    %dma_start3A_142 = tpu.memref_slice %arg5[%add3A_98, %dma_start3A_141] : memref<129x16384xf32, #tpu.memory_space<hbm>> -> memref<1x4096xf32, #tpu.memory_space<hbm>>
    tpu.enqueue_dma source(%arg9 : memref<1x4096xf32, #tpu.memory_space<vmem>>) target(%dma_start3A_142 : memref<1x4096xf32, #tpu.memory_space<hbm>>) target_semaphore(%arg11 : memref<!tpu.dma_semaphore, #tpu.memory_space<semaphore_mem>>)
    %mul3A_143 = arith.constant 4 : i32
    %mul3A_144 = arith.muli %add3A, %mul3A_143 : i32
    %add3A_145 = arith.constant 2 : i32
    %add3A_146 = arith.addi %mul3A_144, %add3A_145 : i32
    "tpu.region"() ({
      %run_scoped3A = tpu.sem_alloc : memref<!tpu.dma_semaphore, #tpu.memory_space<semaphore_mem>>
      %dma_start3A_283 = arith.constant 0 : i32
      %dma_start3A_284 = tpu.memref_slice %arg3[%add3A_146, %dma_start3A_283] : memref<129x100000xf32, #tpu.memory_space<hbm>> -> memref<1x100000xf32, #tpu.memory_space<hbm>>
      %dma_start3A_285 = arith.constant 0 : i32
      %dma_start3A_286 = tpu.memref_slice %arg3[%add3A_146, %dma_start3A_285] : memref<129x100000xf32, #tpu.memory_space<hbm>> -> memref<1x100000xf32, #tpu.memory_space<hbm>>
      tpu.enqueue_dma source(%dma_start3A_286 : memref<1x100000xf32, #tpu.memory_space<hbm>>) target(%arg7 : memref<1x100000xf32, #tpu.memory_space<vmem>>) target_semaphore(%run_scoped3A : memref<!tpu.dma_semaphore, #tpu.memory_space<semaphore_mem>>)
      %dma_wait3A_287 = arith.constant 0 : i32
      %dma_wait3A_288 = tpu.memref_slice %arg3[%add3A_146, %dma_wait3A_287] : memref<129x100000xf32, #tpu.memory_space<hbm>> -> memref<1x100000xf32, #tpu.memory_space<hbm>>
      %dma_wait3A_289 = arith.constant 0 : i32
      %dma_wait3A_290 = tpu.memref_slice %arg3[%add3A_146, %dma_wait3A_289] : memref<129x100000xf32, #tpu.memory_space<hbm>> -> memref<1x100000xf32, #tpu.memory_space<hbm>>
      tpu.wait_dma2 semaphore(%run_scoped3A : memref<!tpu.dma_semaphore, #tpu.memory_space<semaphore_mem>>) src(%dma_wait3A_290 : memref<1x100000xf32, #tpu.memory_space<hbm>>) dst(%arg7 : memref<1x100000xf32, #tpu.memory_space<vmem>>)
      tpu.yield
    }) : () -> ()
    %dma_wait3A_147 = arith.constant 8192 : i32
    %dma_wait3A_148 = tpu.memref_slice %arg5[%add3A_98, %dma_wait3A_147] : memref<129x16384xf32, #tpu.memory_space<hbm>> -> memref<1x4096xf32, #tpu.memory_space<hbm>>
    %dma_wait3A_149 = arith.constant 8192 : i32
    %dma_wait3A_150 = tpu.memref_slice %arg5[%add3A_98, %dma_wait3A_149] : memref<129x16384xf32, #tpu.memory_space<hbm>> -> memref<1x4096xf32, #tpu.memory_space<hbm>>
    tpu.wait_dma2 semaphore(%arg11 : memref<!tpu.dma_semaphore, #tpu.memory_space<semaphore_mem>>) src(%arg8 : memref<1x4096xf32, #tpu.memory_space<vmem>>) dst(%dma_wait3A_150 : memref<1x4096xf32, #tpu.memory_space<hbm>>)
    %parallel_loop3A_151 = arith.constant 0 : i32
    %parallel_loop3A_152 = arith.constant 256 : i32
    %parallel_loop3A_153 = arith.constant 1 : i32
    scf.for %parallel_loop3A_283 = %parallel_loop3A_151 to %parallel_loop3A_152 step %parallel_loop3A_153  : i32 {
      %parallel_loop3A_284 = arith.constant 16 : i32
      %parallel_loop3A_285 = arith.muli %parallel_loop3A_283, %parallel_loop3A_284 : i32
      %parallel_loop3A_286 = arith.constant 0 : i32
      %parallel_loop3A_287 = arith.addi %parallel_loop3A_286, %parallel_loop3A_285 : i32
      %parallel_loop3A_288 = arith.constant 0 : i32
      %parallel_loop3A_289 = arith.index_cast %parallel_loop3A_288 : i32 to index
      %parallel_loop3A_290 = arith.index_cast %parallel_loop3A_287 : i32 to index
      %parallel_loop3A_291 = tpu.vector_load %arg6[%parallel_loop3A_289, %parallel_loop3A_290] {strides = array<i32>} : memref<1x16384xi32, #tpu.memory_space<vmem>>, vector<16xi32>,
      %parallel_loop3A_292 = tpu.vector_load_idx %arg7[%broadcast_in_dim3A_6, %parallel_loop3A_291] : memref<1x100000xf32, #tpu.memory_space<vmem>>[vector<16xi32>, vector<16xi32>], vector<16xf32>,
      %parallel_loop3A_293 = arith.constant 16 : i32
      %parallel_loop3A_294 = arith.muli %parallel_loop3A_283, %parallel_loop3A_293 : i32
      %parallel_loop3A_295 = arith.constant 0 : i32
      %parallel_loop3A_296 = arith.index_cast %parallel_loop3A_295 : i32 to index
      %parallel_loop3A_297 = arith.index_cast %parallel_loop3A_294 : i32 to index
      %parallel_loop3A_298 = tpu.vector_load %arg8[%parallel_loop3A_296, %parallel_loop3A_297] {strides = array<i32>} : memref<1x4096xf32, #tpu.memory_space<vmem>>, vector<16xf32>,
      tpu.vector_store %arg8[%parallel_loop3A_296, %parallel_loop3A_297], %parallel_loop3A_292 {strides = array<i32>} : memref<1x4096xf32, #tpu.memory_space<vmem>>, vector<16xf32>,
    } {sc.loop_unroll_factor = 8 : i64, sc.parallel_access}
    %dma_start3A_154 = arith.constant 0 : i32
    %dma_start3A_155 = tpu.memref_slice %arg5[%add3A_146, %dma_start3A_154] : memref<129x16384xf32, #tpu.memory_space<hbm>> -> memref<1x4096xf32, #tpu.memory_space<hbm>>
    %dma_start3A_156 = arith.constant 0 : i32
    %dma_start3A_157 = tpu.memref_slice %arg5[%add3A_146, %dma_start3A_156] : memref<129x16384xf32, #tpu.memory_space<hbm>> -> memref<1x4096xf32, #tpu.memory_space<hbm>>
    tpu.enqueue_dma source(%arg8 : memref<1x4096xf32, #tpu.memory_space<vmem>>) target(%dma_start3A_157 : memref<1x4096xf32, #tpu.memory_space<hbm>>) target_semaphore(%arg11 : memref<!tpu.dma_semaphore, #tpu.memory_space<semaphore_mem>>)
    %dma_wait3A_158 = arith.constant 12288 : i32
    %dma_wait3A_159 = tpu.memref_slice %arg5[%add3A_98, %dma_wait3A_158] : memref<129x16384xf32, #tpu.memory_space<hbm>> -> memref<1x4096xf32, #tpu.memory_space<hbm>>
    %dma_wait3A_160 = arith.constant 12288 : i32
    %dma_wait3A_161 = tpu.memref_slice %arg5[%add3A_98, %dma_wait3A_160] : memref<129x16384xf32, #tpu.memory_space<hbm>> -> memref<1x4096xf32, #tpu.memory_space<hbm>>
    tpu.wait_dma2 semaphore(%arg11 : memref<!tpu.dma_semaphore, #tpu.memory_space<semaphore_mem>>) src(%arg9 : memref<1x4096xf32, #tpu.memory_space<vmem>>) dst(%dma_wait3A_161 : memref<1x4096xf32, #tpu.memory_space<hbm>>)
    %parallel_loop3A_162 = arith.constant 0 : i32
    %parallel_loop3A_163 = arith.constant 256 : i32
    %parallel_loop3A_164 = arith.constant 1 : i32
    scf.for %parallel_loop3A_283 = %parallel_loop3A_162 to %parallel_loop3A_163 step %parallel_loop3A_164  : i32 {
      %parallel_loop3A_284 = arith.constant 16 : i32
      %parallel_loop3A_285 = arith.muli %parallel_loop3A_283, %parallel_loop3A_284 : i32
      %parallel_loop3A_286 = arith.constant 4096 : i32
      %parallel_loop3A_287 = arith.addi %parallel_loop3A_286, %parallel_loop3A_285 : i32
      %parallel_loop3A_288 = arith.constant 0 : i32
      %parallel_loop3A_289 = arith.index_cast %parallel_loop3A_288 : i32 to index
      %parallel_loop3A_290 = arith.index_cast %parallel_loop3A_287 : i32 to index
      %parallel_loop3A_291 = tpu.vector_load %arg6[%parallel_loop3A_289, %parallel_loop3A_290] {strides = array<i32>} : memref<1x16384xi32, #tpu.memory_space<vmem>>, vector<16xi32>,
      %parallel_loop3A_292 = tpu.vector_load_idx %arg7[%broadcast_in_dim3A_6, %parallel_loop3A_291] : memref<1x100000xf32, #tpu.memory_space<vmem>>[vector<16xi32>, vector<16xi32>], vector<16xf32>,
      %parallel_loop3A_293 = arith.constant 16 : i32
      %parallel_loop3A_294 = arith.muli %parallel_loop3A_283, %parallel_loop3A_293 : i32
      %parallel_loop3A_295 = arith.constant 0 : i32
      %parallel_loop3A_296 = arith.index_cast %parallel_loop3A_295 : i32 to index
      %parallel_loop3A_297 = arith.index_cast %parallel_loop3A_294 : i32 to index
      %parallel_loop3A_298 = tpu.vector_load %arg9[%parallel_loop3A_296, %parallel_loop3A_297] {strides = array<i32>} : memref<1x4096xf32, #tpu.memory_space<vmem>>, vector<16xf32>,
      tpu.vector_store %arg9[%parallel_loop3A_296, %parallel_loop3A_297], %parallel_loop3A_292 {strides = array<i32>} : memref<1x4096xf32, #tpu.memory_space<vmem>>, vector<16xf32>,
    } {sc.loop_unroll_factor = 8 : i64, sc.parallel_access}
    %dma_start3A_165 = arith.constant 4096 : i32
    %dma_start3A_166 = tpu.memref_slice %arg5[%add3A_146, %dma_start3A_165] : memref<129x16384xf32, #tpu.memory_space<hbm>> -> memref<1x4096xf32, #tpu.memory_space<hbm>>
    %dma_start3A_167 = arith.constant 4096 : i32
    %dma_start3A_168 = tpu.memref_slice %arg5[%add3A_146, %dma_start3A_167] : memref<129x16384xf32, #tpu.memory_space<hbm>> -> memref<1x4096xf32, #tpu.memory_space<hbm>>
    tpu.enqueue_dma source(%arg9 : memref<1x4096xf32, #tpu.memory_space<vmem>>) target(%dma_start3A_168 : memref<1x4096xf32, #tpu.memory_space<hbm>>) target_semaphore(%arg11 : memref<!tpu.dma_semaphore, #tpu.memory_space<semaphore_mem>>)
    %dma_wait3A_169 = arith.constant 0 : i32
    %dma_wait3A_170 = tpu.memref_slice %arg5[%add3A_146, %dma_wait3A_169] : memref<129x16384xf32, #tpu.memory_space<hbm>> -> memref<1x4096xf32, #tpu.memory_space<hbm>>
    %dma_wait3A_171 = arith.constant 0 : i32
    %dma_wait3A_172 = tpu.memref_slice %arg5[%add3A_146, %dma_wait3A_171] : memref<129x16384xf32, #tpu.memory_space<hbm>> -> memref<1x4096xf32, #tpu.memory_space<hbm>>
    tpu.wait_dma2 semaphore(%arg11 : memref<!tpu.dma_semaphore, #tpu.memory_space<semaphore_mem>>) src(%arg8 : memref<1x4096xf32, #tpu.memory_space<vmem>>) dst(%dma_wait3A_172 : memref<1x4096xf32, #tpu.memory_space<hbm>>)
    %parallel_loop3A_173 = arith.constant 0 : i32
    %parallel_loop3A_174 = arith.constant 256 : i32
    %parallel_loop3A_175 = arith.constant 1 : i32
    scf.for %parallel_loop3A_283 = %parallel_loop3A_173 to %parallel_loop3A_174 step %parallel_loop3A_175  : i32 {
      %parallel_loop3A_284 = arith.constant 16 : i32
      %parallel_loop3A_285 = arith.muli %parallel_loop3A_283, %parallel_loop3A_284 : i32
      %parallel_loop3A_286 = arith.constant 8192 : i32
      %parallel_loop3A_287 = arith.addi %parallel_loop3A_286, %parallel_loop3A_285 : i32
      %parallel_loop3A_288 = arith.constant 0 : i32
      %parallel_loop3A_289 = arith.index_cast %parallel_loop3A_288 : i32 to index
      %parallel_loop3A_290 = arith.index_cast %parallel_loop3A_287 : i32 to index
      %parallel_loop3A_291 = tpu.vector_load %arg6[%parallel_loop3A_289, %parallel_loop3A_290] {strides = array<i32>} : memref<1x16384xi32, #tpu.memory_space<vmem>>, vector<16xi32>,
      %parallel_loop3A_292 = tpu.vector_load_idx %arg7[%broadcast_in_dim3A_6, %parallel_loop3A_291] : memref<1x100000xf32, #tpu.memory_space<vmem>>[vector<16xi32>, vector<16xi32>], vector<16xf32>,
      %parallel_loop3A_293 = arith.constant 16 : i32
      %parallel_loop3A_294 = arith.muli %parallel_loop3A_283, %parallel_loop3A_293 : i32
      %parallel_loop3A_295 = arith.constant 0 : i32
      %parallel_loop3A_296 = arith.index_cast %parallel_loop3A_295 : i32 to index
      %parallel_loop3A_297 = arith.index_cast %parallel_loop3A_294 : i32 to index
      %parallel_loop3A_298 = tpu.vector_load %arg8[%parallel_loop3A_296, %parallel_loop3A_297] {strides = array<i32>} : memref<1x4096xf32, #tpu.memory_space<vmem>>, vector<16xf32>,
      tpu.vector_store %arg8[%parallel_loop3A_296, %parallel_loop3A_297], %parallel_loop3A_292 {strides = array<i32>} : memref<1x4096xf32, #tpu.memory_space<vmem>>, vector<16xf32>,
    } {sc.loop_unroll_factor = 8 : i64, sc.parallel_access}
    %dma_start3A_176 = arith.constant 8192 : i32
    %dma_start3A_177 = tpu.memref_slice %arg5[%add3A_146, %dma_start3A_176] : memref<129x16384xf32, #tpu.memory_space<hbm>> -> memref<1x4096xf32, #tpu.memory_space<hbm>>
    %dma_start3A_178 = arith.constant 8192 : i32
    %dma_start3A_179 = tpu.memref_slice %arg5[%add3A_146, %dma_start3A_178] : memref<129x16384xf32, #tpu.memory_space<hbm>> -> memref<1x4096xf32, #tpu.memory_space<hbm>>
    tpu.enqueue_dma source(%arg8 : memref<1x4096xf32, #tpu.memory_space<vmem>>) target(%dma_start3A_179 : memref<1x4096xf32, #tpu.memory_space<hbm>>) target_semaphore(%arg11 : memref<!tpu.dma_semaphore, #tpu.memory_space<semaphore_mem>>)
    %dma_wait3A_180 = arith.constant 4096 : i32
    %dma_wait3A_181 = tpu.memref_slice %arg5[%add3A_146, %dma_wait3A_180] : memref<129x16384xf32, #tpu.memory_space<hbm>> -> memref<1x4096xf32, #tpu.memory_space<hbm>>
    %dma_wait3A_182 = arith.constant 4096 : i32
    %dma_wait3A_183 = tpu.memref_slice %arg5[%add3A_146, %dma_wait3A_182] : memref<129x16384xf32, #tpu.memory_space<hbm>> -> memref<1x4096xf32, #tpu.memory_space<hbm>>
    tpu.wait_dma2 semaphore(%arg11 : memref<!tpu.dma_semaphore, #tpu.memory_space<semaphore_mem>>) src(%arg9 : memref<1x4096xf32, #tpu.memory_space<vmem>>) dst(%dma_wait3A_183 : memref<1x4096xf32, #tpu.memory_space<hbm>>)
    %parallel_loop3A_184 = arith.constant 0 : i32
    %parallel_loop3A_185 = arith.constant 256 : i32
    %parallel_loop3A_186 = arith.constant 1 : i32
    scf.for %parallel_loop3A_283 = %parallel_loop3A_184 to %parallel_loop3A_185 step %parallel_loop3A_186  : i32 {
      %parallel_loop3A_284 = arith.constant 16 : i32
      %parallel_loop3A_285 = arith.muli %parallel_loop3A_283, %parallel_loop3A_284 : i32
      %parallel_loop3A_286 = arith.constant 12288 : i32
      %parallel_loop3A_287 = arith.addi %parallel_loop3A_286, %parallel_loop3A_285 : i32
      %parallel_loop3A_288 = arith.constant 0 : i32
      %parallel_loop3A_289 = arith.index_cast %parallel_loop3A_288 : i32 to index
      %parallel_loop3A_290 = arith.index_cast %parallel_loop3A_287 : i32 to index
      %parallel_loop3A_291 = tpu.vector_load %arg6[%parallel_loop3A_289, %parallel_loop3A_290] {strides = array<i32>} : memref<1x16384xi32, #tpu.memory_space<vmem>>, vector<16xi32>,
      %parallel_loop3A_292 = tpu.vector_load_idx %arg7[%broadcast_in_dim3A_6, %parallel_loop3A_291] : memref<1x100000xf32, #tpu.memory_space<vmem>>[vector<16xi32>, vector<16xi32>], vector<16xf32>,
      %parallel_loop3A_293 = arith.constant 16 : i32
      %parallel_loop3A_294 = arith.muli %parallel_loop3A_283, %parallel_loop3A_293 : i32
      %parallel_loop3A_295 = arith.constant 0 : i32
      %parallel_loop3A_296 = arith.index_cast %parallel_loop3A_295 : i32 to index
      %parallel_loop3A_297 = arith.index_cast %parallel_loop3A_294 : i32 to index
      %parallel_loop3A_298 = tpu.vector_load %arg9[%parallel_loop3A_296, %parallel_loop3A_297] {strides = array<i32>} : memref<1x4096xf32, #tpu.memory_space<vmem>>, vector<16xf32>,
      tpu.vector_store %arg9[%parallel_loop3A_296, %parallel_loop3A_297], %parallel_loop3A_292 {strides = array<i32>} : memref<1x4096xf32, #tpu.memory_space<vmem>>, vector<16xf32>,
    } {sc.loop_unroll_factor = 8 : i64, sc.parallel_access}
    %dma_start3A_187 = arith.constant 12288 : i32
    %dma_start3A_188 = tpu.memref_slice %arg5[%add3A_146, %dma_start3A_187] : memref<129x16384xf32, #tpu.memory_space<hbm>> -> memref<1x4096xf32, #tpu.memory_space<hbm>>
    %dma_start3A_189 = arith.constant 12288 : i32
    %dma_start3A_190 = tpu.memref_slice %arg5[%add3A_146, %dma_start3A_189] : memref<129x16384xf32, #tpu.memory_space<hbm>> -> memref<1x4096xf32, #tpu.memory_space<hbm>>
    tpu.enqueue_dma source(%arg9 : memref<1x4096xf32, #tpu.memory_space<vmem>>) target(%dma_start3A_190 : memref<1x4096xf32, #tpu.memory_space<hbm>>) target_semaphore(%arg11 : memref<!tpu.dma_semaphore, #tpu.memory_space<semaphore_mem>>)
    %mul3A_191 = arith.constant 4 : i32
    %mul3A_192 = arith.muli %add3A, %mul3A_191 : i32
    %add3A_193 = arith.constant 3 : i32
    %add3A_194 = arith.addi %mul3A_192, %add3A_193 : i32
    "tpu.region"() ({
      %run_scoped3A = tpu.sem_alloc : memref<!tpu.dma_semaphore, #tpu.memory_space<semaphore_mem>>
      %dma_start3A_283 = arith.constant 0 : i32
      %dma_start3A_284 = tpu.memref_slice %arg3[%add3A_194, %dma_start3A_283] : memref<129x100000xf32, #tpu.memory_space<hbm>> -> memref<1x100000xf32, #tpu.memory_space<hbm>>
      %dma_start3A_285 = arith.constant 0 : i32
      %dma_start3A_286 = tpu.memref_slice %arg3[%add3A_194, %dma_start3A_285] : memref<129x100000xf32, #tpu.memory_space<hbm>> -> memref<1x100000xf32, #tpu.memory_space<hbm>>
      tpu.enqueue_dma source(%dma_start3A_286 : memref<1x100000xf32, #tpu.memory_space<hbm>>) target(%arg7 : memref<1x100000xf32, #tpu.memory_space<vmem>>) target_semaphore(%run_scoped3A : memref<!tpu.dma_semaphore, #tpu.memory_space<semaphore_mem>>)
      %dma_wait3A_287 = arith.constant 0 : i32
      %dma_wait3A_288 = tpu.memref_slice %arg3[%add3A_194, %dma_wait3A_287] : memref<129x100000xf32, #tpu.memory_space<hbm>> -> memref<1x100000xf32, #tpu.memory_space<hbm>>
      %dma_wait3A_289 = arith.constant 0 : i32
      %dma_wait3A_290 = tpu.memref_slice %arg3[%add3A_194, %dma_wait3A_289] : memref<129x100000xf32, #tpu.memory_space<hbm>> -> memref<1x100000xf32, #tpu.memory_space<hbm>>
      tpu.wait_dma2 semaphore(%run_scoped3A : memref<!tpu.dma_semaphore, #tpu.memory_space<semaphore_mem>>) src(%dma_wait3A_290 : memref<1x100000xf32, #tpu.memory_space<hbm>>) dst(%arg7 : memref<1x100000xf32, #tpu.memory_space<vmem>>)
      tpu.yield
    }) : () -> ()
    %dma_wait3A_195 = arith.constant 8192 : i32
    %dma_wait3A_196 = tpu.memref_slice %arg5[%add3A_146, %dma_wait3A_195] : memref<129x16384xf32, #tpu.memory_space<hbm>> -> memref<1x4096xf32, #tpu.memory_space<hbm>>
    %dma_wait3A_197 = arith.constant 8192 : i32
    %dma_wait3A_198 = tpu.memref_slice %arg5[%add3A_146, %dma_wait3A_197] : memref<129x16384xf32, #tpu.memory_space<hbm>> -> memref<1x4096xf32, #tpu.memory_space<hbm>>
    tpu.wait_dma2 semaphore(%arg11 : memref<!tpu.dma_semaphore, #tpu.memory_space<semaphore_mem>>) src(%arg8 : memref<1x4096xf32, #tpu.memory_space<vmem>>) dst(%dma_wait3A_198 : memref<1x4096xf32, #tpu.memory_space<hbm>>)
    %parallel_loop3A_199 = arith.constant 0 : i32
    %parallel_loop3A_200 = arith.constant 256 : i32
    %parallel_loop3A_201 = arith.constant 1 : i32
    scf.for %parallel_loop3A_283 = %parallel_loop3A_199 to %parallel_loop3A_200 step %parallel_loop3A_201  : i32 {
      %parallel_loop3A_284 = arith.constant 16 : i32
      %parallel_loop3A_285 = arith.muli %parallel_loop3A_283, %parallel_loop3A_284 : i32
      %parallel_loop3A_286 = arith.constant 0 : i32
      %parallel_loop3A_287 = arith.addi %parallel_loop3A_286, %parallel_loop3A_285 : i32
      %parallel_loop3A_288 = arith.constant 0 : i32
      %parallel_loop3A_289 = arith.index_cast %parallel_loop3A_288 : i32 to index
      %parallel_loop3A_290 = arith.index_cast %parallel_loop3A_287 : i32 to index
      %parallel_loop3A_291 = tpu.vector_load %arg6[%parallel_loop3A_289, %parallel_loop3A_290] {strides = array<i32>} : memref<1x16384xi32, #tpu.memory_space<vmem>>, vector<16xi32>,
      %parallel_loop3A_292 = tpu.vector_load_idx %arg7[%broadcast_in_dim3A_6, %parallel_loop3A_291] : memref<1x100000xf32, #tpu.memory_space<vmem>>[vector<16xi32>, vector<16xi32>], vector<16xf32>,
      %parallel_loop3A_293 = arith.constant 16 : i32
      %parallel_loop3A_294 = arith.muli %parallel_loop3A_283, %parallel_loop3A_293 : i32
      %parallel_loop3A_295 = arith.constant 0 : i32
      %parallel_loop3A_296 = arith.index_cast %parallel_loop3A_295 : i32 to index
      %parallel_loop3A_297 = arith.index_cast %parallel_loop3A_294 : i32 to index
      %parallel_loop3A_298 = tpu.vector_load %arg8[%parallel_loop3A_296, %parallel_loop3A_297] {strides = array<i32>} : memref<1x4096xf32, #tpu.memory_space<vmem>>, vector<16xf32>,
      tpu.vector_store %arg8[%parallel_loop3A_296, %parallel_loop3A_297], %parallel_loop3A_292 {strides = array<i32>} : memref<1x4096xf32, #tpu.memory_space<vmem>>, vector<16xf32>,
    } {sc.loop_unroll_factor = 8 : i64, sc.parallel_access}
    %dma_start3A_202 = arith.constant 0 : i32
    %dma_start3A_203 = tpu.memref_slice %arg5[%add3A_194, %dma_start3A_202] : memref<129x16384xf32, #tpu.memory_space<hbm>> -> memref<1x4096xf32, #tpu.memory_space<hbm>>
    %dma_start3A_204 = arith.constant 0 : i32
    %dma_start3A_205 = tpu.memref_slice %arg5[%add3A_194, %dma_start3A_204] : memref<129x16384xf32, #tpu.memory_space<hbm>> -> memref<1x4096xf32, #tpu.memory_space<hbm>>
    tpu.enqueue_dma source(%arg8 : memref<1x4096xf32, #tpu.memory_space<vmem>>) target(%dma_start3A_205 : memref<1x4096xf32, #tpu.memory_space<hbm>>) target_semaphore(%arg11 : memref<!tpu.dma_semaphore, #tpu.memory_space<semaphore_mem>>)
    %dma_wait3A_206 = arith.constant 12288 : i32
    %dma_wait3A_207 = tpu.memref_slice %arg5[%add3A_146, %dma_wait3A_206] : memref<129x16384xf32, #tpu.memory_space<hbm>> -> memref<1x4096xf32, #tpu.memory_space<hbm>>
    %dma_wait3A_208 = arith.constant 12288 : i32
    %dma_wait3A_209 = tpu.memref_slice %arg5[%add3A_146, %dma_wait3A_208] : memref<129x16384xf32, #tpu.memory_space<hbm>> -> memref<1x4096xf32, #tpu.memory_space<hbm>>
    tpu.wait_dma2 semaphore(%arg11 : memref<!tpu.dma_semaphore, #tpu.memory_space<semaphore_mem>>) src(%arg9 : memref<1x4096xf32, #tpu.memory_space<vmem>>) dst(%dma_wait3A_209 : memref<1x4096xf32, #tpu.memory_space<hbm>>)
    %parallel_loop3A_210 = arith.constant 0 : i32
    %parallel_loop3A_211 = arith.constant 256 : i32
    %parallel_loop3A_212 = arith.constant 1 : i32
    scf.for %parallel_loop3A_283 = %parallel_loop3A_210 to %parallel_loop3A_211 step %parallel_loop3A_212  : i32 {
      %parallel_loop3A_284 = arith.constant 16 : i32
      %parallel_loop3A_285 = arith.muli %parallel_loop3A_283, %parallel_loop3A_284 : i32
      %parallel_loop3A_286 = arith.constant 4096 : i32
      %parallel_loop3A_287 = arith.addi %parallel_loop3A_286, %parallel_loop3A_285 : i32
      %parallel_loop3A_288 = arith.constant 0 : i32
      %parallel_loop3A_289 = arith.index_cast %parallel_loop3A_288 : i32 to index
      %parallel_loop3A_290 = arith.index_cast %parallel_loop3A_287 : i32 to index
      %parallel_loop3A_291 = tpu.vector_load %arg6[%parallel_loop3A_289, %parallel_loop3A_290] {strides = array<i32>} : memref<1x16384xi32, #tpu.memory_space<vmem>>, vector<16xi32>,
      %parallel_loop3A_292 = tpu.vector_load_idx %arg7[%broadcast_in_dim3A_6, %parallel_loop3A_291] : memref<1x100000xf32, #tpu.memory_space<vmem>>[vector<16xi32>, vector<16xi32>], vector<16xf32>,
      %parallel_loop3A_293 = arith.constant 16 : i32
      %parallel_loop3A_294 = arith.muli %parallel_loop3A_283, %parallel_loop3A_293 : i32
      %parallel_loop3A_295 = arith.constant 0 : i32
      %parallel_loop3A_296 = arith.index_cast %parallel_loop3A_295 : i32 to index
      %parallel_loop3A_297 = arith.index_cast %parallel_loop3A_294 : i32 to index
      %parallel_loop3A_298 = tpu.vector_load %arg9[%parallel_loop3A_296, %parallel_loop3A_297] {strides = array<i32>} : memref<1x4096xf32, #tpu.memory_space<vmem>>, vector<16xf32>,
      tpu.vector_store %arg9[%parallel_loop3A_296, %parallel_loop3A_297], %parallel_loop3A_292 {strides = array<i32>} : memref<1x4096xf32, #tpu.memory_space<vmem>>, vector<16xf32>,
    } {sc.loop_unroll_factor = 8 : i64, sc.parallel_access}
    %dma_start3A_213 = arith.constant 4096 : i32
    %dma_start3A_214 = tpu.memref_slice %arg5[%add3A_194, %dma_start3A_213] : memref<129x16384xf32, #tpu.memory_space<hbm>> -> memref<1x4096xf32, #tpu.memory_space<hbm>>
    %dma_start3A_215 = arith.constant 4096 : i32
    %dma_start3A_216 = tpu.memref_slice %arg5[%add3A_194, %dma_start3A_215] : memref<129x16384xf32, #tpu.memory_space<hbm>> -> memref<1x4096xf32, #tpu.memory_space<hbm>>
    tpu.enqueue_dma source(%arg9 : memref<1x4096xf32, #tpu.memory_space<vmem>>) target(%dma_start3A_216 : memref<1x4096xf32, #tpu.memory_space<hbm>>) target_semaphore(%arg11 : memref<!tpu.dma_semaphore, #tpu.memory_space<semaphore_mem>>)
    %dma_wait3A_217 = arith.constant 0 : i32
    %dma_wait3A_218 = tpu.memref_slice %arg5[%add3A_194, %dma_wait3A_217] : memref<129x16384xf32, #tpu.memory_space<hbm>> -> memref<1x4096xf32, #tpu.memory_space<hbm>>
    %dma_wait3A_219 = arith.constant 0 : i32
    %dma_wait3A_220 = tpu.memref_slice %arg5[%add3A_194, %dma_wait3A_219] : memref<129x16384xf32, #tpu.memory_space<hbm>> -> memref<1x4096xf32, #tpu.memory_space<hbm>>
    tpu.wait_dma2 semaphore(%arg11 : memref<!tpu.dma_semaphore, #tpu.memory_space<semaphore_mem>>) src(%arg8 : memref<1x4096xf32, #tpu.memory_space<vmem>>) dst(%dma_wait3A_220 : memref<1x4096xf32, #tpu.memory_space<hbm>>)
    %parallel_loop3A_221 = arith.constant 0 : i32
    %parallel_loop3A_222 = arith.constant 256 : i32
    %parallel_loop3A_223 = arith.constant 1 : i32
    scf.for %parallel_loop3A_283 = %parallel_loop3A_221 to %parallel_loop3A_222 step %parallel_loop3A_223  : i32 {
      %parallel_loop3A_284 = arith.constant 16 : i32
      %parallel_loop3A_285 = arith.muli %parallel_loop3A_283, %parallel_loop3A_284 : i32
      %parallel_loop3A_286 = arith.constant 8192 : i32
      %parallel_loop3A_287 = arith.addi %parallel_loop3A_286, %parallel_loop3A_285 : i32
      %parallel_loop3A_288 = arith.constant 0 : i32
      %parallel_loop3A_289 = arith.index_cast %parallel_loop3A_288 : i32 to index
      %parallel_loop3A_290 = arith.index_cast %parallel_loop3A_287 : i32 to index
      %parallel_loop3A_291 = tpu.vector_load %arg6[%parallel_loop3A_289, %parallel_loop3A_290] {strides = array<i32>} : memref<1x16384xi32, #tpu.memory_space<vmem>>, vector<16xi32>,
      %parallel_loop3A_292 = tpu.vector_load_idx %arg7[%broadcast_in_dim3A_6, %parallel_loop3A_291] : memref<1x100000xf32, #tpu.memory_space<vmem>>[vector<16xi32>, vector<16xi32>], vector<16xf32>,
      %parallel_loop3A_293 = arith.constant 16 : i32
      %parallel_loop3A_294 = arith.muli %parallel_loop3A_283, %parallel_loop3A_293 : i32
      %parallel_loop3A_295 = arith.constant 0 : i32
      %parallel_loop3A_296 = arith.index_cast %parallel_loop3A_295 : i32 to index
      %parallel_loop3A_297 = arith.index_cast %parallel_loop3A_294 : i32 to index
      %parallel_loop3A_298 = tpu.vector_load %arg8[%parallel_loop3A_296, %parallel_loop3A_297] {strides = array<i32>} : memref<1x4096xf32, #tpu.memory_space<vmem>>, vector<16xf32>,
      tpu.vector_store %arg8[%parallel_loop3A_296, %parallel_loop3A_297], %parallel_loop3A_292 {strides = array<i32>} : memref<1x4096xf32, #tpu.memory_space<vmem>>, vector<16xf32>,
    } {sc.loop_unroll_factor = 8 : i64, sc.parallel_access}
    %dma_start3A_224 = arith.constant 8192 : i32
    %dma_start3A_225 = tpu.memref_slice %arg5[%add3A_194, %dma_start3A_224] : memref<129x16384xf32, #tpu.memory_space<hbm>> -> memref<1x4096xf32, #tpu.memory_space<hbm>>
    %dma_start3A_226 = arith.constant 8192 : i32
    %dma_start3A_227 = tpu.memref_slice %arg5[%add3A_194, %dma_start3A_226] : memref<129x16384xf32, #tpu.memory_space<hbm>> -> memref<1x4096xf32, #tpu.memory_space<hbm>>
    tpu.enqueue_dma source(%arg8 : memref<1x4096xf32, #tpu.memory_space<vmem>>) target(%dma_start3A_227 : memref<1x4096xf32, #tpu.memory_space<hbm>>) target_semaphore(%arg11 : memref<!tpu.dma_semaphore, #tpu.memory_space<semaphore_mem>>)
    %dma_wait3A_228 = arith.constant 4096 : i32
    %dma_wait3A_229 = tpu.memref_slice %arg5[%add3A_194, %dma_wait3A_228] : memref<129x16384xf32, #tpu.memory_space<hbm>> -> memref<1x4096xf32, #tpu.memory_space<hbm>>
    %dma_wait3A_230 = arith.constant 4096 : i32
    %dma_wait3A_231 = tpu.memref_slice %arg5[%add3A_194, %dma_wait3A_230] : memref<129x16384xf32, #tpu.memory_space<hbm>> -> memref<1x4096xf32, #tpu.memory_space<hbm>>
    tpu.wait_dma2 semaphore(%arg11 : memref<!tpu.dma_semaphore, #tpu.memory_space<semaphore_mem>>) src(%arg9 : memref<1x4096xf32, #tpu.memory_space<vmem>>) dst(%dma_wait3A_231 : memref<1x4096xf32, #tpu.memory_space<hbm>>)
    %parallel_loop3A_232 = arith.constant 0 : i32
    %parallel_loop3A_233 = arith.constant 256 : i32
    %parallel_loop3A_234 = arith.constant 1 : i32
    scf.for %parallel_loop3A_283 = %parallel_loop3A_232 to %parallel_loop3A_233 step %parallel_loop3A_234  : i32 {
      %parallel_loop3A_284 = arith.constant 16 : i32
      %parallel_loop3A_285 = arith.muli %parallel_loop3A_283, %parallel_loop3A_284 : i32
      %parallel_loop3A_286 = arith.constant 12288 : i32
      %parallel_loop3A_287 = arith.addi %parallel_loop3A_286, %parallel_loop3A_285 : i32
      %parallel_loop3A_288 = arith.constant 0 : i32
      %parallel_loop3A_289 = arith.index_cast %parallel_loop3A_288 : i32 to index
      %parallel_loop3A_290 = arith.index_cast %parallel_loop3A_287 : i32 to index
      %parallel_loop3A_291 = tpu.vector_load %arg6[%parallel_loop3A_289, %parallel_loop3A_290] {strides = array<i32>} : memref<1x16384xi32, #tpu.memory_space<vmem>>, vector<16xi32>,
      %parallel_loop3A_292 = tpu.vector_load_idx %arg7[%broadcast_in_dim3A_6, %parallel_loop3A_291] : memref<1x100000xf32, #tpu.memory_space<vmem>>[vector<16xi32>, vector<16xi32>], vector<16xf32>,
      %parallel_loop3A_293 = arith.constant 16 : i32
      %parallel_loop3A_294 = arith.muli %parallel_loop3A_283, %parallel_loop3A_293 : i32
      %parallel_loop3A_295 = arith.constant 0 : i32
      %parallel_loop3A_296 = arith.index_cast %parallel_loop3A_295 : i32 to index
      %parallel_loop3A_297 = arith.index_cast %parallel_loop3A_294 : i32 to index
      %parallel_loop3A_298 = tpu.vector_load %arg9[%parallel_loop3A_296, %parallel_loop3A_297] {strides = array<i32>} : memref<1x4096xf32, #tpu.memory_space<vmem>>, vector<16xf32>,
      tpu.vector_store %arg9[%parallel_loop3A_296, %parallel_loop3A_297], %parallel_loop3A_292 {strides = array<i32>} : memref<1x4096xf32, #tpu.memory_space<vmem>>, vector<16xf32>,
    } {sc.loop_unroll_factor = 8 : i64, sc.parallel_access}
    %dma_start3A_235 = arith.constant 12288 : i32
    %dma_start3A_236 = tpu.memref_slice %arg5[%add3A_194, %dma_start3A_235] : memref<129x16384xf32, #tpu.memory_space<hbm>> -> memref<1x4096xf32, #tpu.memory_space<hbm>>
    %dma_start3A_237 = arith.constant 12288 : i32
    %dma_start3A_238 = tpu.memref_slice %arg5[%add3A_194, %dma_start3A_237] : memref<129x16384xf32, #tpu.memory_space<hbm>> -> memref<1x4096xf32, #tpu.memory_space<hbm>>
    tpu.enqueue_dma source(%arg9 : memref<1x4096xf32, #tpu.memory_space<vmem>>) target(%dma_start3A_238 : memref<1x4096xf32, #tpu.memory_space<hbm>>) target_semaphore(%arg11 : memref<!tpu.dma_semaphore, #tpu.memory_space<semaphore_mem>>)
    %dma_wait3A_239 = arith.constant 8192 : i32
    %dma_wait3A_240 = tpu.memref_slice %arg5[%add3A_194, %dma_wait3A_239] : memref<129x16384xf32, #tpu.memory_space<hbm>> -> memref<1x4096xf32, #tpu.memory_space<hbm>>
    %dma_wait3A_241 = arith.constant 8192 : i32
    %dma_wait3A_242 = tpu.memref_slice %arg5[%add3A_194, %dma_wait3A_241] : memref<129x16384xf32, #tpu.memory_space<hbm>> -> memref<1x4096xf32, #tpu.memory_space<hbm>>
    tpu.wait_dma2 semaphore(%arg11 : memref<!tpu.dma_semaphore, #tpu.memory_space<semaphore_mem>>) src(%arg8 : memref<1x4096xf32, #tpu.memory_space<vmem>>) dst(%dma_wait3A_242 : memref<1x4096xf32, #tpu.memory_space<hbm>>)
    %dma_wait3A_243 = arith.constant 12288 : i32
    %dma_wait3A_244 = tpu.memref_slice %arg5[%add3A_194, %dma_wait3A_243] : memref<129x16384xf32, #tpu.memory_space<hbm>> -> memref<1x4096xf32, #tpu.memory_space<hbm>>
    %dma_wait3A_245 = arith.constant 12288 : i32
    %dma_wait3A_246 = tpu.memref_slice %arg5[%add3A_194, %dma_wait3A_245] : memref<129x16384xf32, #tpu.memory_space<hbm>> -> memref<1x4096xf32, #tpu.memory_space<hbm>>
    tpu.wait_dma2 semaphore(%arg11 : memref<!tpu.dma_semaphore, #tpu.memory_space<semaphore_mem>>) src(%arg9 : memref<1x4096xf32, #tpu.memory_space<vmem>>) dst(%dma_wait3A_246 : memref<1x4096xf32, #tpu.memory_space<hbm>>)
    %dma_wait3A_247 = arith.constant 0 : i32
    %dma_wait3A_248 = arith.constant 0 : i32
    %dma_wait3A_249 = arith.constant 0 : i32
    %dma_wait3A_250 = tpu.memref_slice %arg10[%dma_wait3A_248, %dma_wait3A_249] : memref<1x512xf32, #tpu.memory_space<vmem>> -> memref<1x128xf32, #tpu.memory_space<vmem>>
    %dma_wait3A_251 = tpu.memref_squeeze %dma_wait3A_250 : memref<1x128xf32, #tpu.memory_space<vmem>> -> memref<128xf32, #tpu.memory_space<vmem>>
    %dma_wait3A_252 = tpu.memref_slice %arg6[%dma_wait3A_247, %add3A_10] : memref<1x16384xi32, #tpu.memory_space<vmem>> -> memref<1x128xi32, #tpu.memory_space<vmem>>
    %dma_wait3A_253 = tpu.memref_squeeze %dma_wait3A_252 : memref<1x128xi32, #tpu.memory_space<vmem>> -> memref<128xi32, #tpu.memory_space<vmem>>
    %dma_wait3A_254 = arith.constant 0 : i32
    %dma_wait3A_255 = tpu.memref_slice %arg4[%dma_wait3A_254] : memref<100000xf32, #tpu.memory_space<hbm>> -> memref<100000xf32, #tpu.memory_space<hbm>>
    tpu.wait_indirect_dma semaphore(%arg12 : memref<!tpu.dma_semaphore, #tpu.memory_space<semaphore_mem>>) src(%dma_wait3A_255 : memref<100000xf32, #tpu.memory_space<hbm>>) dst(%dma_wait3A_251 : memref<128xf32, #tpu.memory_space<vmem>>)
    %dma_wait3A_256 = arith.constant 0 : i32
    %dma_wait3A_257 = arith.constant 0 : i32
    %dma_wait3A_258 = arith.constant 128 : i32
    %dma_wait3A_259 = tpu.memref_slice %arg10[%dma_wait3A_257, %dma_wait3A_258] : memref<1x512xf32, #tpu.memory_space<vmem>> -> memref<1x128xf32, #tpu.memory_space<vmem>>
    %dma_wait3A_260 = tpu.memref_squeeze %dma_wait3A_259 : memref<1x128xf32, #tpu.memory_space<vmem>> -> memref<128xf32, #tpu.memory_space<vmem>>
    %dma_wait3A_261 = tpu.memref_slice %arg6[%dma_wait3A_256, %add3A_21] : memref<1x16384xi32, #tpu.memory_space<vmem>> -> memref<1x128xi32, #tpu.memory_space<vmem>>
    %dma_wait3A_262 = tpu.memref_squeeze %dma_wait3A_261 : memref<1x128xi32, #tpu.memory_space<vmem>> -> memref<128xi32, #tpu.memory_space<vmem>>
    %dma_wait3A_263 = arith.constant 0 : i32
    %dma_wait3A_264 = tpu.memref_slice %arg4[%dma_wait3A_263] : memref<100000xf32, #tpu.memory_space<hbm>> -> memref<100000xf32, #tpu.memory_space<hbm>>
    tpu.wait_indirect_dma semaphore(%arg12 : memref<!tpu.dma_semaphore, #tpu.memory_space<semaphore_mem>>) src(%dma_wait3A_264 : memref<100000xf32, #tpu.memory_space<hbm>>) dst(%dma_wait3A_260 : memref<128xf32, #tpu.memory_space<vmem>>)
    %dma_wait3A_265 = arith.constant 0 : i32
    %dma_wait3A_266 = arith.constant 0 : i32
    %dma_wait3A_267 = arith.constant 256 : i32
    %dma_wait3A_268 = tpu.memref_slice %arg10[%dma_wait3A_266, %dma_wait3A_267] : memref<1x512xf32, #tpu.memory_space<vmem>> -> memref<1x128xf32, #tpu.memory_space<vmem>>
    %dma_wait3A_269 = tpu.memref_squeeze %dma_wait3A_268 : memref<1x128xf32, #tpu.memory_space<vmem>> -> memref<128xf32, #tpu.memory_space<vmem>>
    %dma_wait3A_270 = tpu.memref_slice %arg6[%dma_wait3A_265, %add3A_32] : memref<1x16384xi32, #tpu.memory_space<vmem>> -> memref<1x128xi32, #tpu.memory_space<vmem>>
    %dma_wait3A_271 = tpu.memref_squeeze %dma_wait3A_270 : memref<1x128xi32, #tpu.memory_space<vmem>> -> memref<128xi32, #tpu.memory_space<vmem>>
    %dma_wait3A_272 = arith.constant 0 : i32
    %dma_wait3A_273 = tpu.memref_slice %arg4[%dma_wait3A_272] : memref<100000xf32, #tpu.memory_space<hbm>> -> memref<100000xf32, #tpu.memory_space<hbm>>
    tpu.wait_indirect_dma semaphore(%arg12 : memref<!tpu.dma_semaphore, #tpu.memory_space<semaphore_mem>>) src(%dma_wait3A_273 : memref<100000xf32, #tpu.memory_space<hbm>>) dst(%dma_wait3A_269 : memref<128xf32, #tpu.memory_space<vmem>>)
    %dma_wait3A_274 = arith.constant 0 : i32
    %dma_wait3A_275 = arith.constant 0 : i32
    %dma_wait3A_276 = arith.constant 384 : i32
    %dma_wait3A_277 = tpu.memref_slice %arg10[%dma_wait3A_275, %dma_wait3A_276] : memref<1x512xf32, #tpu.memory_space<vmem>> -> memref<1x128xf32, #tpu.memory_space<vmem>>
    %dma_wait3A_278 = tpu.memref_squeeze %dma_wait3A_277 : memref<1x128xf32, #tpu.memory_space<vmem>> -> memref<128xf32, #tpu.memory_space<vmem>>
    %dma_wait3A_279 = tpu.memref_slice %arg6[%dma_wait3A_274, %add3A_43] : memref<1x16384xi32, #tpu.memory_space<vmem>> -> memref<1x128xi32, #tpu.memory_space<vmem>>
    %dma_wait3A_280 = tpu.memref_squeeze %dma_wait3A_279 : memref<1x128xi32, #tpu.memory_space<vmem>> -> memref<128xi32, #tpu.memory_space<vmem>>
    %dma_wait3A_281 = arith.constant 0 : i32
    %dma_wait3A_282 = tpu.memref_slice %arg4[%dma_wait3A_281] : memref<100000xf32, #tpu.memory_space<hbm>> -> memref<100000xf32, #tpu.memory_space<hbm>>
    tpu.wait_indirect_dma semaphore(%arg12 : memref<!tpu.dma_semaphore, #tpu.memory_space<semaphore_mem>>) src(%dma_wait3A_282 : memref<100000xf32, #tpu.memory_space<hbm>>) dst(%dma_wait3A_278 : memref<128xf32, #tpu.memory_space<vmem>>)
    "tpu.region"() ({
      %run_scoped3A = tpu.sem_alloc : memref<!tpu.dma_semaphore, #tpu.memory_space<semaphore_mem>>
      %dma_start3A_283 = arith.constant 128 : i32
      %dma_start3A_284 = tpu.memref_slice %arg5[%dma_start3A_283, %mul3A_8] : memref<129x16384xf32, #tpu.memory_space<hbm>> -> memref<1x512xf32, #tpu.memory_space<hbm>>
      %dma_start3A_285 = arith.constant 128 : i32
      %dma_start3A_286 = tpu.memref_slice %arg5[%dma_start3A_285, %mul3A_8] : memref<129x16384xf32, #tpu.memory_space<hbm>> -> memref<1x512xf32, #tpu.memory_space<hbm>>
      tpu.enqueue_dma source(%arg10 : memref<1x512xf32, #tpu.memory_space<vmem>>) target(%dma_start3A_286 : memref<1x512xf32, #tpu.memory_space<hbm>>) target_semaphore(%run_scoped3A : memref<!tpu.dma_semaphore, #tpu.memory_space<semaphore_mem>>)
      %dma_wait3A_287 = arith.constant 128 : i32
      %dma_wait3A_288 = tpu.memref_slice %arg5[%dma_wait3A_287, %mul3A_8] : memref<129x16384xf32, #tpu.memory_space<hbm>> -> memref<1x512xf32, #tpu.memory_space<hbm>>
      %dma_wait3A_289 = arith.constant 128 : i32
      %dma_wait3A_290 = tpu.memref_slice %arg5[%dma_wait3A_289, %mul3A_8] : memref<129x16384xf32, #tpu.memory_space<hbm>> -> memref<1x512xf32, #tpu.memory_space<hbm>>
      tpu.wait_dma2 semaphore(%run_scoped3A : memref<!tpu.dma_semaphore, #tpu.memory_space<semaphore_mem>>) src(%arg10 : memref<1x512xf32, #tpu.memory_space<vmem>>) dst(%dma_wait3A_290 : memref<1x512xf32, #tpu.memory_space<hbm>>)
      tpu.yield
    }) : () -> ()
    return
  }
}

</mosaic_0001>

<sc_bundles>
// kernel: kernel.3.cloned.1.call-start
scs
__scs_entry_jumppad:
0x0: {  	(pc) =	sbr.rel $0x88, $3  }
0x1: {  	(tag) =	ssettag $0x0;
	lr =	simm.s32 $0x1  }
0x2: {  	[smem:$0x3F9F] =	sst lr;
	_ =	strace $0xD0000000  }
0x3: {  	_ = 	snop  }
0x4: {  	_ = 	snop  }
0x5: {  	_ = 	snop  }
0x6: {  	_ = 	snop  }
0x7: {  	_ = 	snop  }
__scs_overlays_trampoline_lowered:
0x8: {  	[smem:$0x3FAE] =	sst s0  }
0x9: {  	[smem:$0x3FAF] =	sst s1  }
0xa: {  	[smem:$0x3FB0] =	sst s2  }
0xb: {  	[smem:$0x3FB1] =	sst s3  }
0xc: {  	[smem:$0x3FB2] =	sst s4  }
0xd: {  	[smem:$0x3FB3] =	sst s5  }
0xe: {  	[smem:$0x3FB4] =	sst s6  }
0xf: {  	[smem:$0x3FB5] =	sst s7  }
0x10: {  	[smem:$0x3FB6] =	sst s8  }
0x11: {  	[smem:$0x3FB7] =	sst s9;
	s0 =	simm.s32 @!p0 $0x0  }
0x12: {  	s1 =	sld [smem:$0x3F9D];
	s0 =	simm.s32 @p0 $0x1  }
0x13: {  	[smem:$0x3FB8] =	sst s0;
	s0 =	simm.s32 @!p1 $0x0  }
0x14: {  	s2 =	sld [smem:$0x3F9C];
	s0 =	simm.s32 @p1 $0x1  }
0x15: {  	[smem:$0x3FB9] =	sst s0;
	s0 =	simm.s32 @!p2 $0x0  }
0x16: {  	s3 =	sld [smem:$0x3FDB];
	s0 =	simm.s32 @p2 $0x1  }
0x17: {  	s4 =	simm.s32 $0x1BF5;
	[smem:$0x3FBB] =	sst s0  }
0x18: {  	s0 =	sld [smem:$0x3F9E];
	_ =	swait.ge [sflag:s4], $0x0  }
0x19: {  	s7 =	sld [smem:$0x3F9F]  }
0x1a: {  	s8 =	sadd.s32 $0xFFFFE003, lr  }
0x1b: {  	s9 =	sadd.s32 $0xFFFFFEF7, lr;
	s5 =	simm.s32 $0xFFFFFFFF;
	p2 =	slt.u32 s8, $0xFFFFF086  }
0x1c: {  	p1 =	slt.u32 s9, $0xF7A;
	s5 =	simm.s32 @!p2 $0x0  }
0x1d: {  	s5 =	simm.s32 @p1 $0x1;
	p0 =	seq.s32 s7, s2  }
0x1e: {  	s7 =	smul.u32 @!p0 $0xF7A, s2;
	p2 =	seq.s32 @!p0 s5, $0x0  }
0x1f: {  	s9 =	smul.u32 $0xF7A, s1;
	s8 =	simm.s32 @!p0 $0x1BF5;
	p2 =	por !p2, p0  }
0x20: {  	[sflag:s8] =	ssyncset.s32 @!p0 $0xFFFFF086;
	s6 =	sadd.s32 @!p0 s3, s7;
	s7 =	simm.s32 @!p0 $0x108  }
0x21: {  	s3 =	sadd.s32 s3, s9;
	s6 =	sadd.s32 @!p0 $0x88, s6;
	s7 =	simm.s32 @p2 $0x1082  }
0x22: {  	[simem:s7], [sflag:s8] =	dma.local @!p0 [hbm:s6], $0xF7A  }
0x23: {  	s9 =	sor.u32 $0xD0000000, s2;
	s6 =	simm.s32 $0x108;
	_ =	swait.ge @!p0 [sflag:s8], $0x0  }
0x24: {  	s3 =	sadd.s32 $0x88, s3;
	s6 =	simm.s32 @!p1 $0x1082;
	[sflag:s4] =	ssyncset.s32 $0xFFFFF086  }
0x25: {  	[simem:s6], [sflag:s4] =	dma.local [hbm:s3], $0xF7A  }
0x26: {  	[smem:$0x3F9F] =	sst s1;
	(tag) =	ssettag s2;
	_ =	strace s9  }
0x27: {  	s1 =	sld [smem:$0x3FAF]  }
0x28: {  	s2 =	sld [smem:$0x3FB0]  }
0x29: {  	s4 =	sld [smem:$0x3FB2]  }
0x2a: {  	p0 =	seq.s32 s5, $0x0;
	s5 =	sld [smem:$0x3FB3]  }
0x2b: {  	s6 =	sld [smem:$0x3FB4]  }
0x2c: {  	s7 =	sld [smem:$0x3FB5]  }
0x2d: {  	s3 =	simm.s32 $0x108;
	s8 =	sld [smem:$0x3FB6]  }
0x2e: {  	s3 =	simm.s32 @!p0 $0x1082;
	s9 =	sld [smem:$0x3FB7]  }
0x2f: {  	lr =	sadd.s32 s0, s3;
	s0 =	sld [smem:$0x3FAE]  }
0x30: {  	s3 =	sld [smem:$0x3FB1]  }
0x31: {  	[smem:$0x3FBA] =	sst s10  }
0x32: {  	s10 =	sld [smem:$0x3FB8];
	_ =	sdelay $0x3  }
0x33: {  	p0 =	seq.s32 s10, $0x1;
	s10 =	sld [smem:$0x3FBA];
	_ =	sdelay $0x3  }
0x34: {  	[smem:$0x3FBA] =	sst s10  }
0x35: {  	s10 =	sld [smem:$0x3FB9];
	_ =	sdelay $0x3  }
0x36: {  	p1 =	seq.s32 s10, $0x1;
	s10 =	sld [smem:$0x3FBA];
	_ =	sdelay $0x3  }
0x37: {  	[smem:$0x3FBA] =	sst s10  }
0x38: {  	s10 =	sld [smem:$0x3FBB]  }
0x39: {  	_ = 	snop;
	(pc) =	sbr.ind lr, $3  }
0x3a: {  	_ = 	snop  }
0x3b: {  	_ = 	snop  }
0x3c: {  	p2 =	seq.s32 s10, $0x1;
	s10 =	sld [smem:$0x3FBA]  }
0x3d: {  	_ =	shalt  }
0x3e: {  	_ =	shalt  }
0x3f: {  	_ =	shalt  }
0x40: {  	_ =	shalt  }
0x41: {  	_ =	shalt  }
0x42: {  	_ =	shalt  }
0x43: {  	_ =	shalt  }
0x44: {  	_ =	shalt  }
0x45: {  	_ =	shalt  }
0x46: {  	_ =	shalt  }
0x47: {  	_ =	shalt  }
0x48: {  	_ =	shalt  }
0x49: {  	_ =	shalt  }
0x4a: {  	_ =	shalt  }
0x4b: {  	_ =	shalt  }
0x4c: {  	_ =	shalt  }
0x4d: {  	_ =	shalt  }
0x4e: {  	_ =	shalt  }
0x4f: {  	_ =	shalt  }
0x50: {  	_ =	shalt  }
0x51: {  	_ =	shalt  }
0x52: {  	_ =	shalt  }
0x53: {  	_ =	shalt  }
0x54: {  	_ =	shalt  }
0x55: {  	_ =	shalt  }
0x56: {  	_ =	shalt  }
0x57: {  	_ =	shalt  }
0x58: {  	_ =	shalt  }
0x59: {  	_ =	shalt  }
0x5a: {  	_ =	shalt  }
0x5b: {  	_ =	shalt  }
0x5c: {  	_ =	shalt  }
0x5d: {  	_ =	shalt  }
0x5e: {  	_ =	shalt  }
0x5f: {  	_ =	shalt  }
0x60: {  	_ =	shalt  }
0x61: {  	_ =	shalt  }
0x62: {  	_ =	shalt  }
0x63: {  	_ =	shalt  }
0x64: {  	_ =	shalt  }
0x65: {  	_ =	shalt  }
0x66: {  	_ =	shalt  }
0x67: {  	_ =	shalt  }
0x68: {  	_ =	shalt  }
0x69: {  	_ =	shalt  }
0x6a: {  	_ =	shalt  }
0x6b: {  	_ =	shalt  }
0x6c: {  	_ =	shalt  }
0x6d: {  	_ =	shalt  }
0x6e: {  	_ =	shalt  }
0x6f: {  	_ =	shalt  }
0x70: {  	_ =	shalt  }
0x71: {  	_ =	shalt  }
0x72: {  	_ =	shalt  }
0x73: {  	_ =	shalt  }
0x74: {  	_ =	shalt  }
0x75: {  	_ =	shalt  }
0x76: {  	_ =	shalt  }
0x77: {  	_ =	shalt  }
0x78: {  	_ =	shalt  }
0x79: {  	_ =	shalt  }
0x7a: {  	_ =	shalt  }
0x7b: {  	_ =	shalt  }
0x7c: {  	_ =	shalt  }
0x7d: {  	_ =	shalt  }
0x7e: {  	_ =	shalt  }
0x7f: {  	_ =	shalt  }
0x80: {  	_ =	shalt  }
0x81: {  	_ =	shalt  }
0x82: {  	_ =	shalt  }
0x83: {  	_ =	shalt  }
0x84: {  	_ =	shalt  }
0x85: {  	_ =	shalt  }
0x86: {  	_ =	shalt  }
0x87: {  	_ =	shalt  }
.Lfunc_end0:
.L_simem_size_0:
called_computation_lowered:
.L_overlay_start_0:
0x88: {  	s2 =	sld [smem:$0x3FD9]  }
0x89: {  	s3 =	sld [smem:$0x3FFE];
	_ =	sdelay $0x1  }
0x8a: {  	s1 =	srdreg.scid  }
0x8b: {  	s0 =	sand.u32 $0x1, s1  }
0x8c: {  	s17 =	sshll.u32 s0, $0xA;
	s2 =	sadd.s32 s3, s2  }
0x8d: {  	s2 =	sadd.s32 s2, s17  }
0x8e: {  	[smem:$0x3FC6] =	sst s2  }
0x8f: {  	_ = 	snop  }
0x90: {  	s2 =	sld [smem:$0x3FC9]  }
0x91: {  	s18 =	sld [smem:$0x3FC8]  }
0x92: {  	s4 =	sld [smem:$0x3FD0];
	(tm) =	ssettm $0x1  }
0x93: {  	s5 =	sld [smem:$0x3FFB];
	_ =	sdelay $0x3  }
0x94: {  	_ =	strace s5  }
0x95: {  	s5 =	sld [smem:$0x3FFC];
	_ =	sdelay $0x3  }
0x96: {  	_ =	strace s5  }
0x97: {  	s5 =	sld [smem:$0x3FFD];
	_ =	sdelay $0x3  }
0x98: {  	_ =	strace s5  }
0x99: {  	_ =	strace $0x8FFFFFFF  }
0x9a: {  	s19 =	sld [smem:$0x3FDB];
	_ =	sdelay $0x1  }
0x9b: {  	s6 =	simm.s32 $_scs_section_size  }
0x9c: {  	s7 =	simm.s32 $_size__tile_overlayer_lowered;
	s8 =	simm.s32 $_tile_overlayer_lowered  }
0x9d: {  	s22 =	simm.s32 $0x1BFF;
	s21 =	sshll.u32 s8, $0x1;
	s5 =	sadd.s32 s6, s19  }
0x9e: {  	s9 =	simm.s32 $0x0;
	s20 =	sshll.u32 s7, $0x1;
	s7 =	sadd.s32 s21, s5  }
0x9f: {  	[timem:s9], [sflag:s22] =	dma.local [hbm:s7], s20  }
0xa0: {  	_ =	swait.ge [sflag:s22], s20  }
0xa1: {  	s6 =	ssub.s32 $0x0, s20;
	[sflag:s22] =	ssyncset.done $0x0  }
0xa2: {  	[sflag:s22] =	ssyncadd.s32 s6;
	_ =	sdelay $0x1  }
0xa3: {  	s23 =	simm.s32 $0x1B8B  }
0xa4: {  	_ =	swait.ge [sflag:s23], $0x1  }
0xa5: {  	[sflag:s23] =	ssyncset.done $0x0  }
0xa6: {  	s25 =	simm.s32 $0x1B8E;
	s24 =	sld [smem:$0x3FFE];
	[sflag:s23] =	ssyncadd.s32 $0xFFFFFFFF  }
0xa7: {  	s26 =	simm.s32 $execute0_lowered;
	[smem:$0x3FD2] =	sst s25  }
0xa8: {  	s7 =	sshll.u32 s26, $0x1;
	_ =	strace $0x80000046;
	[dreg:$0x1] =	wrdreg $0xFFFFFFFF  }
0xa9: {  	s28 =	simm.s32 $_size_execute0_lowered;
	s5 =	sadd.s32 s5, s7;
	[dreg:$0x0] =	wrdreg $0x0  }
0xaa: {  	s7 =	sshll.u32 s28, $0x1;
	[dreg:$0x2] =	wrdreg s5  }
0xab: {  	[dreg:$0x3] =	wrdreg s7  }
0xac: {  	[dreg:$0x4] =	wrdreg $0xC0  }
0xad: {  	_ =	task [dreg:s9], $0x5FFFF  }
0xae: {  	[dreg:$0x1] =	wrdreg $0xFFFFFFFF  }
0xaf: {  	[dreg:$0x0] =	wrdreg $0x60  }
0xb0: {  	[dreg:$0x2] =	wrdreg s2  }
0xb1: {  	[dreg:$0x3] =	wrdreg s18  }
0xb2: {  	[dreg:$0x4] =	wrdreg s24  }
0xb3: {  	[dreg:$0x5] =	wrdreg s4  }
0xb4: {  	[dreg:$0x6] =	wrdreg $0x9  }
0xb5: {  	_ =	task.clear_ibuf [dreg:s9], $0x7FFFF;
	_ =	strace $0x90000046  }
0xb6: {  	s29 =	simm.s32 $0x9;
	_ =	strace $0x80000048  }
0xb7: {  	_ =	swait.ge [sflag:s29], $0x1  }
0xb8: {  	[sflag:s29] =	ssyncadd.s32 $0xFFFFFFFF  }
0xb9: {  	_ =	strace $0x90000048  }
0xba: {  	_ =	sfence  }
0xbb: {  	s30 =	sld [smem:$0x0];
	_ =	sdelay $0x2  }
0xbc: {  	s31 =	sshll.u32 s1, $0xD;
	s1 =	sshrl.u32 s1, $0x2  }
0xbd: {  	s3 =	sand.u32 $0x4000, s31;
	s1 =	sadd.s32 s1, s30  }
0xbe: {  	s0 =	sor.u32 s3, s0;
	s1 =	sshll.u32 s1, $0x11  }
0xbf: {  	s0 =	sor.u32 s1, s0  }
0xc0: {  	s0 =	sadd.s32 $0x8F2B, s0  }
0xc1: {  	[sflag:s0] =	ssyncadd.remote.s32 $0x1  }
0xc2: {  	_ =	sfence.sel $0xFFFF  }
0xc3: {  	[dreg:$0x0] =	wrdreg $0xFFFFFFFF;
	(pc) =	sbr.abs _section_cstart, $3  }
0xc4: {  	[dreg:$0x1] =	wrdreg $0xFFFFFFFF  }
0xc5: {  	_ =	task.clear_ibuf [dreg:s9], $0x2FFFF;
	_ =	strace $0x9FFFFFFF  }
0xc6: {  	(tm) =	ssettm $0x7FFFFFFF  }
0xc7: {  	_ =	shalt  }
tec
execute0_lowered:
.L_overlay_start_1:
0x0: {  	(tag) =	ssettag $0x1  }
0x1: {  	s0 =	rddreg [dreg:$0x1];
	s1 =	srdreg.scid  }
0x2: {  	s2 =	rddreg [dreg:$0x3];
	s7 =	stileid.u32;
	s4 =	simm.s32 $0x0  }
0x3: {  	s1 =	sand.u32 $0x1, s1;
	s5 =	smul.u32 $0xC3800, s7;
	[smem:$0x7FF] =	sst s4  }
0x4: {  	s6 =	sshll.u32 s7, $0x11;
	s7 =	sshll.u32 s7, $0xA;
	s13 =	sadd.s32 $0x1000, s2  }
0x5: {  	s9 =	sadd.s32 $0x2000, s2;
	s3 =	ssub.s32 $0x2, s1;
	s1 =	sshll.u32 s1, $0x9  }
0x6: {  	s11 =	sadd.s32 $0x3000, s2;
	s24 =	sshrl.u32 s3, $0x1;
	s25 =	sor.u32 s1, s5  }
0x7: {  	s8 =	sor.u32 s1, s6;
	s17 =	sor.u32 $0x80, s1;
	s23 =	sor.u32 $0x100, s1  }
0x8: {  	s3 =	ssub.s32 s3, s24;
	s4 =	sshrl.u32 s25, $0x3;
	s26 =	sshrl.u32 s8, $0x3  }
0x9: {  	s12 =	sor.u32 s5, s17;
	s24 =	sor.u32 s5, s23;
	s4 =	sadd.s32 s0, s4  }
0xa: {  	s8 =	sadd.s32 s2, s26;
	s10 =	sadd.s32 s26, s13;
	[dreg:$0x5] =	wrdreg s4  }
0xb: {  	s16 =	sadd.s32 s26, s9;
	s18 =	sshrl.u32 s12, $0x3;
	[dreg:$0x6] =	wrdreg s8  }
0xc: {  	s28 =	smax.u32 s3, $0x1;
	s3 =	simm.s32 $0x1E700;
	[dreg:$0x7] =	wrdreg s10  }
0xd: {  	s4 =	sor.u32 s1, s7;
	[dreg:$0x8] =	wrdreg s16;
	s10 =	sor.u32 s6, s17  }
0xe: {  	s7 =	sadd.s32 s26, s11;
	s1 =	sor.u32 $0x180, s1;
	s8 =	simm.s32 $0x1  }
0xf: {  	[dreg:$0x9] =	wrdreg s7;
	s10 =	sshrl.u32 s10, $0x3;
	s7 =	sadd.s32 s0, s18  }
0x10: {  	s5 =	sor.u32 s5, s1;
	s25 =	sor.u32 s6, s1;
	s26 =	sadd.s32 s4, s2  }
0x11: {  	s29 =	sor.u32 $0x80, s4;
	s30 =	sor.u32 $0x100, s4;
	s31 =	sor.u32 $0x180, s4  }
0x12: {  	s1 =	simm.s32 $0x4000;
	[dreg:$0xa] =	wrdreg s7;
	s19 =	sadd.s32 s2, s10  }
0x13: {  	s20 =	sadd.s32 s10, s13;
	s7 =	sor.u32 s6, s23;
	s23 =	rddreg [dreg:$0x2]  }
0x14: {  	s21 =	sadd.s32 s10, s9;
	s22 =	sadd.s32 s10, s11;
	[dreg:$0xb] =	wrdreg s19  }
0x15: {  	s10 =	sshrl.u32 s24, $0x3;
	s5 =	sshrl.u32 s5, $0x3;
	[dreg:$0xc] =	wrdreg s20  }
0x16: {  	s26 =	sadd.s32 $0x40000, s26;
	s6 =	simm.s32 $0x1C700;
	[dreg:$0xd] =	wrdreg s21  }
0x17: {  	[dreg:$0xe] =	wrdreg s22;
	s7 =	sshrl.u32 s7, $0x3;
	s14 =	sadd.s32 s0, s10  }
0x18: {  	s16 =	sadd.s32 s0, s5;
	s0 =	sshrl.u32 s25, $0x3;
	s20 =	simm.s32 $0x80  }
0x19: {  	s5 =	simm.s32 $0x3;
	s10 =	simm.s32 $0x0;
	s15 =	sadd.s32 s2, s7  }
0x1a: {  	s17 =	sadd.s32 s7, s13;
	s18 =	sadd.s32 s7, s9;
	s19 =	sadd.s32 s7, s11  }
0x1b: {  	s21 =	sadd.s32 s0, s13;
	s22 =	sadd.s32 s0, s9;
	s24 =	sadd.s32 s2, s0  }
0x1c: {  	s25 =	sadd.s32 s0, s11;
	_ =	strace $0x80000047;
	s0 =	simm.s32 $0x400  }
0x1d: {  	s2 =	simm.s32 $0x4;
	s7 =	simm.s32 $0x1D700;
	s9 =	simm.s32 $0x2  }
.LBB2_1:
0x1e: {  	s11 =	rddreg [dreg:$0x5]  }
0x1f: {  	[tilespmem:s1], [sflag:$0x3] =	stream.strided.gather [hbm4b:s11+s20], $0x18700, s0, s20, $0x38;
	[tilespmem:$0x1E900] =	vst v63  }
0x20: {  	s13 =	rddreg [dreg:$0x0];
	s12 =	simm.s32 $0x0  }
0x21: {  	[tilespmem:s12], [sflag:$0x4] =	stream.linear.gather [hbm4b:s13+s12], $0x4000, $0x38;
	[tilespmem:$0x1E900] =	vst v63  }
0x22: {  	_ =	swait.ge [sflag:s2], $0x4000  }
0x23: {  	[sflag:s2] =	ssyncset.done $0x0  }
0x24: {  	[sflag:s2] =	ssyncadd.s32 $0xFFFFC000  }
0x25: {  	[tilespmem:s3], [sflag:$0x2] =	stream.indirect.gather [hbm4b:s23+s20], $0x1, s4, s20, $0xb8;
	[tilespmem:$0x1E900] =	vst v63  }
0x26: {  	s12 =	simm.s32 $0x1E780  }
0x27: {  	[tilespmem:s12], [sflag:$0x2] =	stream.indirect.gather [hbm4b:s23+s20], $0x1, s29, s20, $0xb8;
	[tilespmem:$0x1E900] =	vst v63  }
0x28: {  	s13 =	simm.s32 $0x1E800  }
0x29: {  	[tilespmem:s13], [sflag:$0x2] =	stream.indirect.gather [hbm4b:s23+s20], $0x1, s30, s20, $0xb8;
	[tilespmem:$0x1E900] =	vst v63  }
0x2a: {  	s12 =	simm.s32 $0x1E880  }
0x2b: {  	[tilespmem:s12], [sflag:$0x2] =	stream.indirect.gather [hbm4b:s23+s20], $0x1, s31, s20, $0xb8;
	[tilespmem:$0x1E900] =	vst v63  }
0x2c: {  	_ =	swait.ge [sflag:s5], $0x18700  }
0x2d: {  	[sflag:s5] =	ssyncset.done $0x0  }
0x2e: {  	s13 =	simm.s32 $0x40;
	[sflag:s5] =	ssyncadd.s32 $0xFFFE7900  }
0x2f: {  	v0 =	vld [tilespmem:s13+$0x30]  }
0x30: {  	v1 =	vld [tilespmem:s13+$0xFFFFFFD0]  }
0x31: {  	v2 =	vld [tilespmem:s13+$0xFFFFFFE0]  }
0x32: {  	v3 =	vld [tilespmem:s13+$0xFFFFFFF0]  }
0x33: {  	v4 =	vld [tilespmem:s13+$0x0]  }
0x34: {  	v6 =	vld [tilespmem:s13+$0x10]  }
0x35: {  	v7 =	vld [tilespmem:s13+$0x20]  }
0x36: {  	v8 =	vld [tilespmem:s13+$0xFFFFFFC0]  }
0x37: {  	v9 =	vld.idx.msk [tilespmem:v0+s1+$0x0], $0xffff  }
0x38: {  	v10 =	vld.idx.msk [tilespmem:v1+s1+$0x0], $0xffff  }
0x39: {  	v5 =	vld.idx.msk [tilespmem:v2+s1+$0x0], $0xffff  }
0x3a: {  	v3 =	vld.idx.msk [tilespmem:v3+s1+$0x0], $0xffff  }
0x3b: {  	v0 =	vld.idx.msk [tilespmem:v4+s1+$0x0], $0xffff  }
0x3c: {  	s11 =	simm.s32 $0x1C740;
	v1 =	vld.idx.msk [tilespmem:v6+s1+$0x0], $0xffff  }
0x3d: {  	v2 =	vld.idx.msk [tilespmem:v7+s1+$0x0], $0xffff;
	[tilespmem:s11+$0x30] =	vst v9  }
0x3e: {  	s12 =	simm.s32 $0x0;
	s13 =	simm.s32 $0xC0;
	v4 =	vld.idx.msk [tilespmem:v8+s1+$0x0], $0xffff;
	[tilespmem:s11+$0xFFFFFFD0] =	vst v10  }
.LBB2_2:
0x3f: {  	v6 =	vld [tilespmem:s13+$0x30];
	s12 =	sadd.s32 $0x8, s12;
	[tilespmem:s11+$0xFFFFFFE0] =	vst v5  }
0x40: {  	v5 =	vld [tilespmem:s13+$0xFFFFFFD0];
	p0 =	slt.u32 s12, $0xF8;
	[tilespmem:s11+$0xFFFFFFF0] =	vst v3  }
0x41: {  	v3 =	vld [tilespmem:s13+$0xFFFFFFE0];
	[tilespmem:s11+$0x0] =	vst v0  }
0x42: {  	v0 =	vld [tilespmem:s13+$0xFFFFFFF0];
	[tilespmem:s11+$0x10] =	vst v1  }
0x43: {  	v1 =	vld [tilespmem:s13+$0x0];
	[tilespmem:s11+$0x20] =	vst v2  }
0x44: {  	v2 =	vld [tilespmem:s13+$0x10];
	[tilespmem:s11+$0xFFFFFFC0] =	vst v4  }
0x45: {  	v4 =	vld [tilespmem:s13+$0x20]  }
0x46: {  	v7 =	vld [tilespmem:s13+$0xFFFFFFC0]  }
0x47: {  	v6 =	vld.idx.msk [tilespmem:v6+s1+$0x0], $0xffff  }
0x48: {  	v8 =	vld.idx.msk [tilespmem:v5+s1+$0x0], $0xffff  }
0x49: {  	v5 =	vld.idx.msk [tilespmem:v3+s1+$0x0], $0xffff  }
.Ltmp0:
0x4a: {  	v3 =	vld.idx.msk [tilespmem:v0+s1+$0x0], $0xffff;
	(pc) =	sbr.rel @p0 .LBB2_2-.Ltmp0, $4  }
0x4b: {  	v0 =	vld.idx.msk [tilespmem:v1+s1+$0x0], $0xffff  }
0x4c: {  	s11 =	sadd.s32 $0x80, s11;
	v1 =	vld.idx.msk [tilespmem:v2+s1+$0x0], $0xffff  }
0x4d: {  	v2 =	vld.idx.msk [tilespmem:v4+s1+$0x0], $0xffff;
	[tilespmem:s11+$0x30] =	vst v6  }
0x4e: {  	s13 =	sadd.s32 $0x80, s13;
	v4 =	vld.idx.msk [tilespmem:v7+s1+$0x0], $0xffff;
	[tilespmem:s11+$0xFFFFFFD0] =	vst v8  }
0x4f: {  	[tilespmem:s11+$0xFFFFFFE0] =	vst v5  }
0x50: {  	[tilespmem:s11+$0xFFFFFFF0] =	vst v3  }
0x51: {  	[tilespmem:s11+$0x0] =	vst v0  }
0x52: {  	[tilespmem:s11+$0x10] =	vst v1  }
0x53: {  	[tilespmem:s11+$0x20] =	vst v2  }
0x54: {  	[tilespmem:s11+$0xFFFFFFC0] =	vst v4  }
0x55: {  	s13 =	simm.s32 $0x1070;
	s11 =	rddreg [dreg:$0x6]  }
0x56: {  	[hbm4b:s11+s20] =	stream.strided.scatter [tilespmem:s6], [sflag:$0x1], $0x1000, s0, s20, $0x38;
	[tilespmem:$0x1E900] =	vst v63  }
0x57: {  	v0 =	vld [tilespmem:s13+$0x0]  }
0x58: {  	v1 =	vld [tilespmem:s13+$0xFFFFFFA0]  }
0x59: {  	v2 =	vld [tilespmem:s13+$0xFFFFFFB0]  }
0x5a: {  	v3 =	vld [tilespmem:s13+$0xFFFFFFC0]  }
0x5b: {  	v4 =	vld [tilespmem:s13+$0xFFFFFFD0]  }
0x5c: {  	v6 =	vld [tilespmem:s13+$0xFFFFFFE0]  }
0x5d: {  	v7 =	vld [tilespmem:s13+$0xFFFFFFF0]  }
0x5e: {  	v8 =	vld [tilespmem:s13+$0xFFFFFF90]  }
0x5f: {  	v9 =	vld.idx.msk [tilespmem:v0+s1+$0x0], $0xffff  }
0x60: {  	v10 =	vld.idx.msk [tilespmem:v1+s1+$0x0], $0xffff  }
0x61: {  	v5 =	vld.idx.msk [tilespmem:v2+s1+$0x0], $0xffff  }
0x62: {  	v3 =	vld.idx.msk [tilespmem:v3+s1+$0x0], $0xffff  }
0x63: {  	v0 =	vld.idx.msk [tilespmem:v4+s1+$0x0], $0xffff  }
0x64: {  	s11 =	simm.s32 $0x1D740;
	v1 =	vld.idx.msk [tilespmem:v6+s1+$0x0], $0xffff  }
0x65: {  	v2 =	vld.idx.msk [tilespmem:v7+s1+$0x0], $0xffff;
	[tilespmem:s11+$0x30] =	vst v9  }
0x66: {  	s12 =	simm.s32 $0x0;
	s13 =	simm.s32 $0x10F0;
	v4 =	vld.idx.msk [tilespmem:v8+s1+$0x0], $0xffff;
	[tilespmem:s11+$0xFFFFFFD0] =	vst v10  }
.LBB2_4:
0x67: {  	v6 =	vld [tilespmem:s13+$0x0];
	s12 =	sadd.s32 $0x8, s12;
	[tilespmem:s11+$0xFFFFFFE0] =	vst v5  }
0x68: {  	v5 =	vld [tilespmem:s13+$0xFFFFFFA0];
	p0 =	slt.u32 s12, $0xF8;
	[tilespmem:s11+$0xFFFFFFF0] =	vst v3  }
0x69: {  	v3 =	vld [tilespmem:s13+$0xFFFFFFB0];
	[tilespmem:s11+$0x0] =	vst v0  }
0x6a: {  	v0 =	vld [tilespmem:s13+$0xFFFFFFC0];
	[tilespmem:s11+$0x10] =	vst v1  }
0x6b: {  	v1 =	vld [tilespmem:s13+$0xFFFFFFD0];
	[tilespmem:s11+$0x20] =	vst v2  }
0x6c: {  	v2 =	vld [tilespmem:s13+$0xFFFFFFE0];
	[tilespmem:s11+$0xFFFFFFC0] =	vst v4  }
0x6d: {  	v4 =	vld [tilespmem:s13+$0xFFFFFFF0]  }
0x6e: {  	v7 =	vld [tilespmem:s13+$0xFFFFFF90]  }
0x6f: {  	v6 =	vld.idx.msk [tilespmem:v6+s1+$0x0], $0xffff  }
0x70: {  	v8 =	vld.idx.msk [tilespmem:v5+s1+$0x0], $0xffff  }
0x71: {  	v5 =	vld.idx.msk [tilespmem:v3+s1+$0x0], $0xffff  }
.Ltmp1:
0x72: {  	v3 =	vld.idx.msk [tilespmem:v0+s1+$0x0], $0xffff;
	(pc) =	sbr.rel @p0 .LBB2_4-.Ltmp1, $4  }
0x73: {  	v0 =	vld.idx.msk [tilespmem:v1+s1+$0x0], $0xffff  }
0x74: {  	s11 =	sadd.s32 $0x80, s11;
	v1 =	vld.idx.msk [tilespmem:v2+s1+$0x0], $0xffff  }
0x75: {  	v2 =	vld.idx.msk [tilespmem:v4+s1+$0x0], $0xffff;
	[tilespmem:s11+$0x30] =	vst v6  }
0x76: {  	s13 =	sadd.s32 $0x80, s13;
	v4 =	vld.idx.msk [tilespmem:v7+s1+$0x0], $0xffff;
	[tilespmem:s11+$0xFFFFFFD0] =	vst v8  }
0x77: {  	[tilespmem:s11+$0xFFFFFFE0] =	vst v5  }
0x78: {  	[tilespmem:s11+$0xFFFFFFF0] =	vst v3  }
0x79: {  	[tilespmem:s11+$0x0] =	vst v0  }
0x7a: {  	[tilespmem:s11+$0x10] =	vst v1  }
0x7b: {  	[tilespmem:s11+$0x20] =	vst v2  }
0x7c: {  	[tilespmem:s11+$0xFFFFFFC0] =	vst v4  }
0x7d: {  	s11 =	rddreg [dreg:$0x7]  }
0x7e: {  	[hbm4b:s11+s20] =	stream.strided.scatter [tilespmem:s7], [sflag:$0x1], $0x1000, s0, s20, $0x38;
	[tilespmem:$0x1E900] =	vst v63  }
0x7f: {  	_ =	swait.ge [sflag:s8], $0x1000  }
0x80: {  	[sflag:s8] =	ssyncset.done $0x0  }
0x81: {  	s13 =	simm.s32 $0x2070;
	[sflag:s8] =	ssyncadd.s32 $0xFFFFF000  }
0x82: {  	v0 =	vld [tilespmem:s13+$0x0]  }
0x83: {  	v1 =	vld [tilespmem:s13+$0xFFFFFFA0]  }
0x84: {  	v2 =	vld [tilespmem:s13+$0xFFFFFFB0]  }
0x85: {  	v3 =	vld [tilespmem:s13+$0xFFFFFFC0]  }
0x86: {  	v4 =	vld [tilespmem:s13+$0xFFFFFFD0]  }
0x87: {  	v6 =	vld [tilespmem:s13+$0xFFFFFFE0]  }
0x88: {  	v7 =	vld [tilespmem:s13+$0xFFFFFFF0]  }
0x89: {  	v8 =	vld [tilespmem:s13+$0xFFFFFF90]  }
0x8a: {  	v9 =	vld.idx.msk [tilespmem:v0+s1+$0x0], $0xffff  }
0x8b: {  	v10 =	vld.idx.msk [tilespmem:v1+s1+$0x0], $0xffff  }
0x8c: {  	v5 =	vld.idx.msk [tilespmem:v2+s1+$0x0], $0xffff  }
0x8d: {  	v3 =	vld.idx.msk [tilespmem:v3+s1+$0x0], $0xffff  }
0x8e: {  	v0 =	vld.idx.msk [tilespmem:v4+s1+$0x0], $0xffff  }
0x8f: {  	s11 =	simm.s32 $0x1C740;
	v1 =	vld.idx.msk [tilespmem:v6+s1+$0x0], $0xffff  }
0x90: {  	v2 =	vld.idx.msk [tilespmem:v7+s1+$0x0], $0xffff;
	[tilespmem:s11+$0x30] =	vst v9  }
0x91: {  	s12 =	simm.s32 $0x0;
	s13 =	simm.s32 $0x20F0;
	v4 =	vld.idx.msk [tilespmem:v8+s1+$0x0], $0xffff;
	[tilespmem:s11+$0xFFFFFFD0] =	vst v10  }
.LBB2_6:
0x92: {  	v6 =	vld [tilespmem:s13+$0x0];
	s12 =	sadd.s32 $0x8, s12;
	[tilespmem:s11+$0xFFFFFFE0] =	vst v5  }
0x93: {  	v5 =	vld [tilespmem:s13+$0xFFFFFFA0];
	p0 =	slt.u32 s12, $0xF8;
	[tilespmem:s11+$0xFFFFFFF0] =	vst v3  }
0x94: {  	v3 =	vld [tilespmem:s13+$0xFFFFFFB0];
	[tilespmem:s11+$0x0] =	vst v0  }
0x95: {  	v0 =	vld [tilespmem:s13+$0xFFFFFFC0];
	[tilespmem:s11+$0x10] =	vst v1  }
0x96: {  	v1 =	vld [tilespmem:s13+$0xFFFFFFD0];
	[tilespmem:s11+$0x20] =	vst v2  }
0x97: {  	v2 =	vld [tilespmem:s13+$0xFFFFFFE0];
	[tilespmem:s11+$0xFFFFFFC0] =	vst v4  }
0x98: {  	v4 =	vld [tilespmem:s13+$0xFFFFFFF0]  }
0x99: {  	v7 =	vld [tilespmem:s13+$0xFFFFFF90]  }
0x9a: {  	v6 =	vld.idx.msk [tilespmem:v6+s1+$0x0], $0xffff  }
0x9b: {  	v8 =	vld.idx.msk [tilespmem:v5+s1+$0x0], $0xffff  }
0x9c: {  	v5 =	vld.idx.msk [tilespmem:v3+s1+$0x0], $0xffff  }
.Ltmp2:
0x9d: {  	v3 =	vld.idx.msk [tilespmem:v0+s1+$0x0], $0xffff;
	(pc) =	sbr.rel @p0 .LBB2_6-.Ltmp2, $4  }
0x9e: {  	v0 =	vld.idx.msk [tilespmem:v1+s1+$0x0], $0xffff  }
0x9f: {  	s11 =	sadd.s32 $0x80, s11;
	v1 =	vld.idx.msk [tilespmem:v2+s1+$0x0], $0xffff  }
0xa0: {  	v2 =	vld.idx.msk [tilespmem:v4+s1+$0x0], $0xffff;
	[tilespmem:s11+$0x30] =	vst v6  }
0xa1: {  	s13 =	sadd.s32 $0x80, s13;
	v4 =	vld.idx.msk [tilespmem:v7+s1+$0x0], $0xffff;
	[tilespmem:s11+$0xFFFFFFD0] =	vst v8  }
0xa2: {  	[tilespmem:s11+$0xFFFFFFE0] =	vst v5  }
0xa3: {  	[tilespmem:s11+$0xFFFFFFF0] =	vst v3  }
0xa4: {  	[tilespmem:s11+$0x0] =	vst v0  }
0xa5: {  	[tilespmem:s11+$0x10] =	vst v1  }
0xa6: {  	[tilespmem:s11+$0x20] =	vst v2  }
0xa7: {  	[tilespmem:s11+$0xFFFFFFC0] =	vst v4  }
0xa8: {  	s11 =	rddreg [dreg:$0x8]  }
0xa9: {  	[hbm4b:s11+s20] =	stream.strided.scatter [tilespmem:s6], [sflag:$0x1], $0x1000, s0, s20, $0x38;
	[tilespmem:$0x1E900] =	vst v63  }
0xaa: {  	_ =	swait.ge [sflag:s8], $0x1000  }
0xab: {  	[sflag:s8] =	ssyncset.done $0x0  }
0xac: {  	s13 =	simm.s32 $0x3070;
	[sflag:s8] =	ssyncadd.s32 $0xFFFFF000  }
0xad: {  	v0 =	vld [tilespmem:s13+$0x0]  }
0xae: {  	v1 =	vld [tilespmem:s13+$0xFFFFFFA0]  }
0xaf: {  	v2 =	vld [tilespmem:s13+$0xFFFFFFB0]  }
0xb0: {  	v3 =	vld [tilespmem:s13+$0xFFFFFFC0]  }
0xb1: {  	v4 =	vld [tilespmem:s13+$0xFFFFFFD0]  }
0xb2: {  	v6 =	vld [tilespmem:s13+$0xFFFFFFE0]  }
0xb3: {  	v7 =	vld [tilespmem:s13+$0xFFFFFFF0]  }
0xb4: {  	v8 =	vld [tilespmem:s13+$0xFFFFFF90]  }
0xb5: {  	v9 =	vld.idx.msk [tilespmem:v0+s1+$0x0], $0xffff  }
0xb6: {  	v10 =	vld.idx.msk [tilespmem:v1+s1+$0x0], $0xffff  }
0xb7: {  	v5 =	vld.idx.msk [tilespmem:v2+s1+$0x0], $0xffff  }
0xb8: {  	v3 =	vld.idx.msk [tilespmem:v3+s1+$0x0], $0xffff  }
0xb9: {  	v0 =	vld.idx.msk [tilespmem:v4+s1+$0x0], $0xffff  }
0xba: {  	s11 =	simm.s32 $0x1D740;
	v1 =	vld.idx.msk [tilespmem:v6+s1+$0x0], $0xffff  }
0xbb: {  	v2 =	vld.idx.msk [tilespmem:v7+s1+$0x0], $0xffff;
	[tilespmem:s11+$0x30] =	vst v9  }
0xbc: {  	s12 =	simm.s32 $0x0;
	s13 =	simm.s32 $0x30F0;
	v4 =	vld.idx.msk [tilespmem:v8+s1+$0x0], $0xffff;
	[tilespmem:s11+$0xFFFFFFD0] =	vst v10  }
.LBB2_8:
0xbd: {  	v6 =	vld [tilespmem:s13+$0x0];
	s12 =	sadd.s32 $0x8, s12;
	[tilespmem:s11+$0xFFFFFFE0] =	vst v5  }
0xbe: {  	v5 =	vld [tilespmem:s13+$0xFFFFFFA0];
	p0 =	slt.u32 s12, $0xF8;
	[tilespmem:s11+$0xFFFFFFF0] =	vst v3  }
0xbf: {  	v3 =	vld [tilespmem:s13+$0xFFFFFFB0];
	[tilespmem:s11+$0x0] =	vst v0  }
0xc0: {  	v0 =	vld [tilespmem:s13+$0xFFFFFFC0];
	[tilespmem:s11+$0x10] =	vst v1  }
0xc1: {  	v1 =	vld [tilespmem:s13+$0xFFFFFFD0];
	[tilespmem:s11+$0x20] =	vst v2  }
0xc2: {  	v2 =	vld [tilespmem:s13+$0xFFFFFFE0];
	[tilespmem:s11+$0xFFFFFFC0] =	vst v4  }
0xc3: {  	v4 =	vld [tilespmem:s13+$0xFFFFFFF0]  }
0xc4: {  	v7 =	vld [tilespmem:s13+$0xFFFFFF90]  }
0xc5: {  	v6 =	vld.idx.msk [tilespmem:v6+s1+$0x0], $0xffff  }
0xc6: {  	v8 =	vld.idx.msk [tilespmem:v5+s1+$0x0], $0xffff  }
0xc7: {  	v5 =	vld.idx.msk [tilespmem:v3+s1+$0x0], $0xffff  }
.Ltmp3:
0xc8: {  	v3 =	vld.idx.msk [tilespmem:v0+s1+$0x0], $0xffff;
	(pc) =	sbr.rel @p0 .LBB2_8-.Ltmp3, $4  }
0xc9: {  	v0 =	vld.idx.msk [tilespmem:v1+s1+$0x0], $0xffff  }
0xca: {  	s11 =	sadd.s32 $0x80, s11;
	v1 =	vld.idx.msk [tilespmem:v2+s1+$0x0], $0xffff  }
0xcb: {  	v2 =	vld.idx.msk [tilespmem:v4+s1+$0x0], $0xffff;
	[tilespmem:s11+$0x30] =	vst v6  }
0xcc: {  	s13 =	sadd.s32 $0x80, s13;
	v4 =	vld.idx.msk [tilespmem:v7+s1+$0x0], $0xffff;
	[tilespmem:s11+$0xFFFFFFD0] =	vst v8  }
0xcd: {  	[tilespmem:s11+$0xFFFFFFE0] =	vst v5  }
0xce: {  	[tilespmem:s11+$0xFFFFFFF0] =	vst v3  }
0xcf: {  	[tilespmem:s11+$0x0] =	vst v0  }
0xd0: {  	[tilespmem:s11+$0x10] =	vst v1  }
0xd1: {  	[tilespmem:s11+$0x20] =	vst v2  }
0xd2: {  	[tilespmem:s11+$0xFFFFFFC0] =	vst v4  }
0xd3: {  	s11 =	rddreg [dreg:$0x9]  }
0xd4: {  	[hbm4b:s11+s20] =	stream.strided.scatter [tilespmem:s7], [sflag:$0x1], $0x1000, s0, s20, $0x38;
	[tilespmem:$0x1E900] =	vst v63  }
0xd5: {  	s12 =	rddreg [dreg:$0xa]  }
0xd6: {  	[tilespmem:s1], [sflag:$0x4] =	stream.strided.gather [hbm4b:s12+s20], $0x18700, s0, s20, $0x38;
	[tilespmem:$0x1E900] =	vst v63  }
0xd7: {  	_ =	swait.ge [sflag:s2], $0x18700  }
0xd8: {  	[sflag:s2] =	ssyncset.done $0x0  }
0xd9: {  	[sflag:s2] =	ssyncadd.s32 $0xFFFE7900  }
0xda: {  	_ =	swait.ge [sflag:s8], $0x1000  }
0xdb: {  	[sflag:s8] =	ssyncset.done $0x0  }
0xdc: {  	s13 =	simm.s32 $0x40;
	[sflag:s8] =	ssyncadd.s32 $0xFFFFF000  }
0xdd: {  	v0 =	vld [tilespmem:s13+$0x30]  }
0xde: {  	v1 =	vld [tilespmem:s13+$0xFFFFFFD0]  }
0xdf: {  	v2 =	vld [tilespmem:s13+$0xFFFFFFE0]  }
0xe0: {  	v3 =	vld [tilespmem:s13+$0xFFFFFFF0]  }
0xe1: {  	v4 =	vld [tilespmem:s13+$0x0]  }
0xe2: {  	v6 =	vld [tilespmem:s13+$0x10]  }
0xe3: {  	v7 =	vld [tilespmem:s13+$0x20]  }
0xe4: {  	v8 =	vld [tilespmem:s13+$0xFFFFFFC0]  }
0xe5: {  	v9 =	vld.idx.msk [tilespmem:v0+s1+$0x0], $0xffff  }
0xe6: {  	v10 =	vld.idx.msk [tilespmem:v1+s1+$0x0], $0xffff  }
0xe7: {  	v5 =	vld.idx.msk [tilespmem:v2+s1+$0x0], $0xffff  }
0xe8: {  	v3 =	vld.idx.msk [tilespmem:v3+s1+$0x0], $0xffff  }
0xe9: {  	v0 =	vld.idx.msk [tilespmem:v4+s1+$0x0], $0xffff  }
0xea: {  	s11 =	simm.s32 $0x1C740;
	v1 =	vld.idx.msk [tilespmem:v6+s1+$0x0], $0xffff  }
0xeb: {  	v2 =	vld.idx.msk [tilespmem:v7+s1+$0x0], $0xffff;
	[tilespmem:s11+$0x30] =	vst v9  }
0xec: {  	s12 =	simm.s32 $0x0;
	s13 =	simm.s32 $0xC0;
	v4 =	vld.idx.msk [tilespmem:v8+s1+$0x0], $0xffff;
	[tilespmem:s11+$0xFFFFFFD0] =	vst v10  }
.LBB2_10:
0xed: {  	v6 =	vld [tilespmem:s13+$0x30];
	s12 =	sadd.s32 $0x8, s12;
	[tilespmem:s11+$0xFFFFFFE0] =	vst v5  }
0xee: {  	v5 =	vld [tilespmem:s13+$0xFFFFFFD0];
	p0 =	slt.u32 s12, $0xF8;
	[tilespmem:s11+$0xFFFFFFF0] =	vst v3  }
0xef: {  	v3 =	vld [tilespmem:s13+$0xFFFFFFE0];
	[tilespmem:s11+$0x0] =	vst v0  }
0xf0: {  	v0 =	vld [tilespmem:s13+$0xFFFFFFF0];
	[tilespmem:s11+$0x10] =	vst v1  }
0xf1: {  	v1 =	vld [tilespmem:s13+$0x0];
	[tilespmem:s11+$0x20] =	vst v2  }
0xf2: {  	v2 =	vld [tilespmem:s13+$0x10];
	[tilespmem:s11+$0xFFFFFFC0] =	vst v4  }
0xf3: {  	v4 =	vld [tilespmem:s13+$0x20]  }
0xf4: {  	v7 =	vld [tilespmem:s13+$0xFFFFFFC0]  }
0xf5: {  	v6 =	vld.idx.msk [tilespmem:v6+s1+$0x0], $0xffff  }
0xf6: {  	v8 =	vld.idx.msk [tilespmem:v5+s1+$0x0], $0xffff  }
0xf7: {  	v5 =	vld.idx.msk [tilespmem:v3+s1+$0x0], $0xffff  }
.Ltmp4:
0xf8: {  	v3 =	vld.idx.msk [tilespmem:v0+s1+$0x0], $0xffff;
	(pc) =	sbr.rel @p0 .LBB2_10-.Ltmp4, $4  }
0xf9: {  	v0 =	vld.idx.msk [tilespmem:v1+s1+$0x0], $0xffff  }
0xfa: {  	s11 =	sadd.s32 $0x80, s11;
	v1 =	vld.idx.msk [tilespmem:v2+s1+$0x0], $0xffff  }
0xfb: {  	v2 =	vld.idx.msk [tilespmem:v4+s1+$0x0], $0xffff;
	[tilespmem:s11+$0x30] =	vst v6  }
0xfc: {  	s13 =	sadd.s32 $0x80, s13;
	v4 =	vld.idx.msk [tilespmem:v7+s1+$0x0], $0xffff;
	[tilespmem:s11+$0xFFFFFFD0] =	vst v8  }
0xfd: {  	[tilespmem:s11+$0xFFFFFFE0] =	vst v5  }
0xfe: {  	[tilespmem:s11+$0xFFFFFFF0] =	vst v3  }
0xff: {  	[tilespmem:s11+$0x0] =	vst v0  }
0x100: {  	[tilespmem:s11+$0x10] =	vst v1  }
0x101: {  	[tilespmem:s11+$0x20] =	vst v2  }
0x102: {  	[tilespmem:s11+$0xFFFFFFC0] =	vst v4  }
0x103: {  	s11 =	rddreg [dreg:$0xb]  }
0x104: {  	[hbm4b:s11+s20] =	stream.strided.scatter [tilespmem:s6], [sflag:$0x1], $0x1000, s0, s20, $0x38;
	[tilespmem:$0x1E900] =	vst v63  }
0x105: {  	_ =	swait.ge [sflag:s8], $0x1000  }
0x106: {  	[sflag:s8] =	ssyncset.done $0x0  }
0x107: {  	s13 =	simm.s32 $0x1070;
	[sflag:s8] =	ssyncadd.s32 $0xFFFFF000  }
0x108: {  	v0 =	vld [tilespmem:s13+$0x0]  }
0x109: {  	v1 =	vld [tilespmem:s13+$0xFFFFFFA0]  }
0x10a: {  	v2 =	vld [tilespmem:s13+$0xFFFFFFB0]  }
0x10b: {  	v3 =	vld [tilespmem:s13+$0xFFFFFFC0]  }
0x10c: {  	v4 =	vld [tilespmem:s13+$0xFFFFFFD0]  }
0x10d: {  	v6 =	vld [tilespmem:s13+$0xFFFFFFE0]  }
0x10e: {  	v7 =	vld [tilespmem:s13+$0xFFFFFFF0]  }
0x10f: {  	v8 =	vld [tilespmem:s13+$0xFFFFFF90]  }
0x110: {  	v9 =	vld.idx.msk [tilespmem:v0+s1+$0x0], $0xffff  }
0x111: {  	v10 =	vld.idx.msk [tilespmem:v1+s1+$0x0], $0xffff  }
0x112: {  	v5 =	vld.idx.msk [tilespmem:v2+s1+$0x0], $0xffff  }
0x113: {  	v3 =	vld.idx.msk [tilespmem:v3+s1+$0x0], $0xffff  }
0x114: {  	v0 =	vld.idx.msk [tilespmem:v4+s1+$0x0], $0xffff  }
0x115: {  	s11 =	simm.s32 $0x1D740;
	v1 =	vld.idx.msk [tilespmem:v6+s1+$0x0], $0xffff  }
0x116: {  	v2 =	vld.idx.msk [tilespmem:v7+s1+$0x0], $0xffff;
	[tilespmem:s11+$0x30] =	vst v9  }
0x117: {  	s12 =	simm.s32 $0x0;
	s13 =	simm.s32 $0x10F0;
	v4 =	vld.idx.msk [tilespmem:v8+s1+$0x0], $0xffff;
	[tilespmem:s11+$0xFFFFFFD0] =	vst v10  }
.LBB2_12:
0x118: {  	v6 =	vld [tilespmem:s13+$0x0];
	s12 =	sadd.s32 $0x8, s12;
	[tilespmem:s11+$0xFFFFFFE0] =	vst v5  }
0x119: {  	v5 =	vld [tilespmem:s13+$0xFFFFFFA0];
	p0 =	slt.u32 s12, $0xF8;
	[tilespmem:s11+$0xFFFFFFF0] =	vst v3  }
0x11a: {  	v3 =	vld [tilespmem:s13+$0xFFFFFFB0];
	[tilespmem:s11+$0x0] =	vst v0  }
0x11b: {  	v0 =	vld [tilespmem:s13+$0xFFFFFFC0];
	[tilespmem:s11+$0x10] =	vst v1  }
0x11c: {  	v1 =	vld [tilespmem:s13+$0xFFFFFFD0];
	[tilespmem:s11+$0x20] =	vst v2  }
0x11d: {  	v2 =	vld [tilespmem:s13+$0xFFFFFFE0];
	[tilespmem:s11+$0xFFFFFFC0] =	vst v4  }
0x11e: {  	v4 =	vld [tilespmem:s13+$0xFFFFFFF0]  }
0x11f: {  	v7 =	vld [tilespmem:s13+$0xFFFFFF90]  }
0x120: {  	v6 =	vld.idx.msk [tilespmem:v6+s1+$0x0], $0xffff  }
0x121: {  	v8 =	vld.idx.msk [tilespmem:v5+s1+$0x0], $0xffff  }
0x122: {  	v5 =	vld.idx.msk [tilespmem:v3+s1+$0x0], $0xffff  }
.Ltmp5:
0x123: {  	v3 =	vld.idx.msk [tilespmem:v0+s1+$0x0], $0xffff;
	(pc) =	sbr.rel @p0 .LBB2_12-.Ltmp5, $4  }
0x124: {  	v0 =	vld.idx.msk [tilespmem:v1+s1+$0x0], $0xffff  }
0x125: {  	s11 =	sadd.s32 $0x80, s11;
	v1 =	vld.idx.msk [tilespmem:v2+s1+$0x0], $0xffff  }
0x126: {  	v2 =	vld.idx.msk [tilespmem:v4+s1+$0x0], $0xffff;
	[tilespmem:s11+$0x30] =	vst v6  }
0x127: {  	s13 =	sadd.s32 $0x80, s13;
	v4 =	vld.idx.msk [tilespmem:v7+s1+$0x0], $0xffff;
	[tilespmem:s11+$0xFFFFFFD0] =	vst v8  }
0x128: {  	[tilespmem:s11+$0xFFFFFFE0] =	vst v5  }
0x129: {  	[tilespmem:s11+$0xFFFFFFF0] =	vst v3  }
0x12a: {  	[tilespmem:s11+$0x0] =	vst v0  }
0x12b: {  	[tilespmem:s11+$0x10] =	vst v1  }
0x12c: {  	[tilespmem:s11+$0x20] =	vst v2  }
0x12d: {  	[tilespmem:s11+$0xFFFFFFC0] =	vst v4  }
0x12e: {  	s11 =	rddreg [dreg:$0xc]  }
0x12f: {  	[hbm4b:s11+s20] =	stream.strided.scatter [tilespmem:s7], [sflag:$0x1], $0x1000, s0, s20, $0x38;
	[tilespmem:$0x1E900] =	vst v63  }
0x130: {  	_ =	swait.ge [sflag:s8], $0x1000  }
0x131: {  	[sflag:s8] =	ssyncset.done $0x0  }
0x132: {  	s13 =	simm.s32 $0x2070;
	[sflag:s8] =	ssyncadd.s32 $0xFFFFF000  }
0x133: {  	v0 =	vld [tilespmem:s13+$0x0]  }
0x134: {  	v1 =	vld [tilespmem:s13+$0xFFFFFFA0]  }
0x135: {  	v2 =	vld [tilespmem:s13+$0xFFFFFFB0]  }
0x136: {  	v3 =	vld [tilespmem:s13+$0xFFFFFFC0]  }
0x137: {  	v4 =	vld [tilespmem:s13+$0xFFFFFFD0]  }
0x138: {  	v6 =	vld [tilespmem:s13+$0xFFFFFFE0]  }
0x139: {  	v7 =	vld [tilespmem:s13+$0xFFFFFFF0]  }
0x13a: {  	v8 =	vld [tilespmem:s13+$0xFFFFFF90]  }
0x13b: {  	v9 =	vld.idx.msk [tilespmem:v0+s1+$0x0], $0xffff  }
0x13c: {  	v10 =	vld.idx.msk [tilespmem:v1+s1+$0x0], $0xffff  }
0x13d: {  	v5 =	vld.idx.msk [tilespmem:v2+s1+$0x0], $0xffff  }
0x13e: {  	v3 =	vld.idx.msk [tilespmem:v3+s1+$0x0], $0xffff  }
0x13f: {  	v0 =	vld.idx.msk [tilespmem:v4+s1+$0x0], $0xffff  }
0x140: {  	s11 =	simm.s32 $0x1C740;
	v1 =	vld.idx.msk [tilespmem:v6+s1+$0x0], $0xffff  }
0x141: {  	v2 =	vld.idx.msk [tilespmem:v7+s1+$0x0], $0xffff;
	[tilespmem:s11+$0x30] =	vst v9  }
0x142: {  	s12 =	simm.s32 $0x0;
	s13 =	simm.s32 $0x20F0;
	v4 =	vld.idx.msk [tilespmem:v8+s1+$0x0], $0xffff;
	[tilespmem:s11+$0xFFFFFFD0] =	vst v10  }
.LBB2_14:
0x143: {  	v6 =	vld [tilespmem:s13+$0x0];
	s12 =	sadd.s32 $0x8, s12;
	[tilespmem:s11+$0xFFFFFFE0] =	vst v5  }
0x144: {  	v5 =	vld [tilespmem:s13+$0xFFFFFFA0];
	p0 =	slt.u32 s12, $0xF8;
	[tilespmem:s11+$0xFFFFFFF0] =	vst v3  }
0x145: {  	v3 =	vld [tilespmem:s13+$0xFFFFFFB0];
	[tilespmem:s11+$0x0] =	vst v0  }
0x146: {  	v0 =	vld [tilespmem:s13+$0xFFFFFFC0];
	[tilespmem:s11+$0x10] =	vst v1  }
0x147: {  	v1 =	vld [tilespmem:s13+$0xFFFFFFD0];
	[tilespmem:s11+$0x20] =	vst v2  }
0x148: {  	v2 =	vld [tilespmem:s13+$0xFFFFFFE0];
	[tilespmem:s11+$0xFFFFFFC0] =	vst v4  }
0x149: {  	v4 =	vld [tilespmem:s13+$0xFFFFFFF0]  }
0x14a: {  	v7 =	vld [tilespmem:s13+$0xFFFFFF90]  }
0x14b: {  	v6 =	vld.idx.msk [tilespmem:v6+s1+$0x0], $0xffff  }
0x14c: {  	v8 =	vld.idx.msk [tilespmem:v5+s1+$0x0], $0xffff  }
0x14d: {  	v5 =	vld.idx.msk [tilespmem:v3+s1+$0x0], $0xffff  }
.Ltmp6:
0x14e: {  	v3 =	vld.idx.msk [tilespmem:v0+s1+$0x0], $0xffff;
	(pc) =	sbr.rel @p0 .LBB2_14-.Ltmp6, $4  }
0x14f: {  	v0 =	vld.idx.msk [tilespmem:v1+s1+$0x0], $0xffff  }
0x150: {  	s11 =	sadd.s32 $0x80, s11;
	v1 =	vld.idx.msk [tilespmem:v2+s1+$0x0], $0xffff  }
0x151: {  	v2 =	vld.idx.msk [tilespmem:v4+s1+$0x0], $0xffff;
	[tilespmem:s11+$0x30] =	vst v6  }
0x152: {  	s13 =	sadd.s32 $0x80, s13;
	v4 =	vld.idx.msk [tilespmem:v7+s1+$0x0], $0xffff;
	[tilespmem:s11+$0xFFFFFFD0] =	vst v8  }
0x153: {  	[tilespmem:s11+$0xFFFFFFE0] =	vst v5  }
0x154: {  	[tilespmem:s11+$0xFFFFFFF0] =	vst v3  }
0x155: {  	[tilespmem:s11+$0x0] =	vst v0  }
0x156: {  	[tilespmem:s11+$0x10] =	vst v1  }
0x157: {  	[tilespmem:s11+$0x20] =	vst v2  }
0x158: {  	[tilespmem:s11+$0xFFFFFFC0] =	vst v4  }
0x159: {  	s11 =	rddreg [dreg:$0xd]  }
0x15a: {  	[hbm4b:s11+s20] =	stream.strided.scatter [tilespmem:s6], [sflag:$0x1], $0x1000, s0, s20, $0x38;
	[tilespmem:$0x1E900] =	vst v63  }
0x15b: {  	_ =	swait.ge [sflag:s8], $0x1000  }
0x15c: {  	[sflag:s8] =	ssyncset.done $0x0  }
0x15d: {  	s13 =	simm.s32 $0x3070;
	[sflag:s8] =	ssyncadd.s32 $0xFFFFF000  }
0x15e: {  	v0 =	vld [tilespmem:s13+$0x0]  }
0x15f: {  	v1 =	vld [tilespmem:s13+$0xFFFFFFA0]  }
0x160: {  	v2 =	vld [tilespmem:s13+$0xFFFFFFB0]  }
0x161: {  	v3 =	vld [tilespmem:s13+$0xFFFFFFC0]  }
0x162: {  	v4 =	vld [tilespmem:s13+$0xFFFFFFD0]  }
0x163: {  	v6 =	vld [tilespmem:s13+$0xFFFFFFE0]  }
0x164: {  	v7 =	vld [tilespmem:s13+$0xFFFFFFF0]  }
0x165: {  	v8 =	vld [tilespmem:s13+$0xFFFFFF90]  }
0x166: {  	v9 =	vld.idx.msk [tilespmem:v0+s1+$0x0], $0xffff  }
0x167: {  	v10 =	vld.idx.msk [tilespmem:v1+s1+$0x0], $0xffff  }
0x168: {  	v5 =	vld.idx.msk [tilespmem:v2+s1+$0x0], $0xffff  }
0x169: {  	v3 =	vld.idx.msk [tilespmem:v3+s1+$0x0], $0xffff  }
0x16a: {  	v0 =	vld.idx.msk [tilespmem:v4+s1+$0x0], $0xffff  }
0x16b: {  	s11 =	simm.s32 $0x1D740;
	v1 =	vld.idx.msk [tilespmem:v6+s1+$0x0], $0xffff  }
0x16c: {  	v2 =	vld.idx.msk [tilespmem:v7+s1+$0x0], $0xffff;
	[tilespmem:s11+$0x30] =	vst v9  }
0x16d: {  	s12 =	simm.s32 $0x0;
	s13 =	simm.s32 $0x30F0;
	v4 =	vld.idx.msk [tilespmem:v8+s1+$0x0], $0xffff;
	[tilespmem:s11+$0xFFFFFFD0] =	vst v10  }
.LBB2_16:
0x16e: {  	v6 =	vld [tilespmem:s13+$0x0];
	s12 =	sadd.s32 $0x8, s12;
	[tilespmem:s11+$0xFFFFFFE0] =	vst v5  }
0x16f: {  	v5 =	vld [tilespmem:s13+$0xFFFFFFA0];
	p0 =	slt.u32 s12, $0xF8;
	[tilespmem:s11+$0xFFFFFFF0] =	vst v3  }
0x170: {  	v3 =	vld [tilespmem:s13+$0xFFFFFFB0];
	[tilespmem:s11+$0x0] =	vst v0  }
0x171: {  	v0 =	vld [tilespmem:s13+$0xFFFFFFC0];
	[tilespmem:s11+$0x10] =	vst v1  }
0x172: {  	v1 =	vld [tilespmem:s13+$0xFFFFFFD0];
	[tilespmem:s11+$0x20] =	vst v2  }
0x173: {  	v2 =	vld [tilespmem:s13+$0xFFFFFFE0];
	[tilespmem:s11+$0xFFFFFFC0] =	vst v4  }
0x174: {  	v4 =	vld [tilespmem:s13+$0xFFFFFFF0]  }
0x175: {  	v7 =	vld [tilespmem:s13+$0xFFFFFF90]  }
0x176: {  	v6 =	vld.idx.msk [tilespmem:v6+s1+$0x0], $0xffff  }
0x177: {  	v8 =	vld.idx.msk [tilespmem:v5+s1+$0x0], $0xffff  }
0x178: {  	v5 =	vld.idx.msk [tilespmem:v3+s1+$0x0], $0xffff  }
.Ltmp7:
0x179: {  	v3 =	vld.idx.msk [tilespmem:v0+s1+$0x0], $0xffff;
	(pc) =	sbr.rel @p0 .LBB2_16-.Ltmp7, $4  }
0x17a: {  	v0 =	vld.idx.msk [tilespmem:v1+s1+$0x0], $0xffff  }
0x17b: {  	s11 =	sadd.s32 $0x80, s11;
	v1 =	vld.idx.msk [tilespmem:v2+s1+$0x0], $0xffff  }
0x17c: {  	v2 =	vld.idx.msk [tilespmem:v4+s1+$0x0], $0xffff;
	[tilespmem:s11+$0x30] =	vst v6  }
0x17d: {  	s13 =	sadd.s32 $0x80, s13;
	v4 =	vld.idx.msk [tilespmem:v7+s1+$0x0], $0xffff;
	[tilespmem:s11+$0xFFFFFFD0] =	vst v8  }
0x17e: {  	[tilespmem:s11+$0xFFFFFFE0] =	vst v5  }
0x17f: {  	[tilespmem:s11+$0xFFFFFFF0] =	vst v3  }
0x180: {  	[tilespmem:s11+$0x0] =	vst v0  }
0x181: {  	[tilespmem:s11+$0x10] =	vst v1  }
0x182: {  	[tilespmem:s11+$0x20] =	vst v2  }
0x183: {  	[tilespmem:s11+$0xFFFFFFC0] =	vst v4  }
0x184: {  	s11 =	rddreg [dreg:$0xe]  }
0x185: {  	[hbm4b:s11+s20] =	stream.strided.scatter [tilespmem:s7], [sflag:$0x1], $0x1000, s0, s20, $0x38;
	[tilespmem:$0x1E900] =	vst v63  }
0x186: {  	_ = 	snop  }
0x187: {  	[tilespmem:s1], [sflag:$0x4] =	stream.strided.gather [hbm4b:s14+s20], $0x18700, s0, s20, $0x38;
	[tilespmem:$0x1E900] =	vst v63  }
0x188: {  	_ =	swait.ge [sflag:s2], $0x18700  }
0x189: {  	[sflag:s2] =	ssyncset.done $0x0  }
0x18a: {  	[sflag:s2] =	ssyncadd.s32 $0xFFFE7900  }
0x18b: {  	_ =	swait.ge [sflag:s8], $0x1000  }
0x18c: {  	[sflag:s8] =	ssyncset.done $0x0  }
0x18d: {  	s13 =	simm.s32 $0x40;
	[sflag:s8] =	ssyncadd.s32 $0xFFFFF000  }
0x18e: {  	v0 =	vld [tilespmem:s13+$0x30]  }
0x18f: {  	v1 =	vld [tilespmem:s13+$0xFFFFFFD0]  }
0x190: {  	v2 =	vld [tilespmem:s13+$0xFFFFFFE0]  }
0x191: {  	v3 =	vld [tilespmem:s13+$0xFFFFFFF0]  }
0x192: {  	v4 =	vld [tilespmem:s13+$0x0]  }
0x193: {  	v6 =	vld [tilespmem:s13+$0x10]  }
0x194: {  	v7 =	vld [tilespmem:s13+$0x20]  }
0x195: {  	v8 =	vld [tilespmem:s13+$0xFFFFFFC0]  }
0x196: {  	v9 =	vld.idx.msk [tilespmem:v0+s1+$0x0], $0xffff  }
0x197: {  	v10 =	vld.idx.msk [tilespmem:v1+s1+$0x0], $0xffff  }
0x198: {  	v5 =	vld.idx.msk [tilespmem:v2+s1+$0x0], $0xffff  }
0x199: {  	v3 =	vld.idx.msk [tilespmem:v3+s1+$0x0], $0xffff  }
0x19a: {  	v0 =	vld.idx.msk [tilespmem:v4+s1+$0x0], $0xffff  }
0x19b: {  	s11 =	simm.s32 $0x1C740;
	v1 =	vld.idx.msk [tilespmem:v6+s1+$0x0], $0xffff  }
0x19c: {  	v2 =	vld.idx.msk [tilespmem:v7+s1+$0x0], $0xffff;
	[tilespmem:s11+$0x30] =	vst v9  }
0x19d: {  	s12 =	simm.s32 $0x0;
	s13 =	simm.s32 $0xC0;
	v4 =	vld.idx.msk [tilespmem:v8+s1+$0x0], $0xffff;
	[tilespmem:s11+$0xFFFFFFD0] =	vst v10  }
.LBB2_18:
0x19e: {  	v6 =	vld [tilespmem:s13+$0x30];
	s12 =	sadd.s32 $0x8, s12;
	[tilespmem:s11+$0xFFFFFFE0] =	vst v5  }
0x19f: {  	v5 =	vld [tilespmem:s13+$0xFFFFFFD0];
	p0 =	slt.u32 s12, $0xF8;
	[tilespmem:s11+$0xFFFFFFF0] =	vst v3  }
0x1a0: {  	v3 =	vld [tilespmem:s13+$0xFFFFFFE0];
	[tilespmem:s11+$0x0] =	vst v0  }
0x1a1: {  	v0 =	vld [tilespmem:s13+$0xFFFFFFF0];
	[tilespmem:s11+$0x10] =	vst v1  }
0x1a2: {  	v1 =	vld [tilespmem:s13+$0x0];
	[tilespmem:s11+$0x20] =	vst v2  }
0x1a3: {  	v2 =	vld [tilespmem:s13+$0x10];
	[tilespmem:s11+$0xFFFFFFC0] =	vst v4  }
0x1a4: {  	v4 =	vld [tilespmem:s13+$0x20]  }
0x1a5: {  	v7 =	vld [tilespmem:s13+$0xFFFFFFC0]  }
0x1a6: {  	v6 =	vld.idx.msk [tilespmem:v6+s1+$0x0], $0xffff  }
0x1a7: {  	v8 =	vld.idx.msk [tilespmem:v5+s1+$0x0], $0xffff  }
0x1a8: {  	v5 =	vld.idx.msk [tilespmem:v3+s1+$0x0], $0xffff  }
.Ltmp8:
0x1a9: {  	v3 =	vld.idx.msk [tilespmem:v0+s1+$0x0], $0xffff;
	(pc) =	sbr.rel @p0 .LBB2_18-.Ltmp8, $4  }
0x1aa: {  	v0 =	vld.idx.msk [tilespmem:v1+s1+$0x0], $0xffff  }
0x1ab: {  	s11 =	sadd.s32 $0x80, s11;
	v1 =	vld.idx.msk [tilespmem:v2+s1+$0x0], $0xffff  }
0x1ac: {  	v2 =	vld.idx.msk [tilespmem:v4+s1+$0x0], $0xffff;
	[tilespmem:s11+$0x30] =	vst v6  }
0x1ad: {  	s13 =	sadd.s32 $0x80, s13;
	v4 =	vld.idx.msk [tilespmem:v7+s1+$0x0], $0xffff;
	[tilespmem:s11+$0xFFFFFFD0] =	vst v8  }
0x1ae: {  	[tilespmem:s11+$0xFFFFFFE0] =	vst v5  }
0x1af: {  	[tilespmem:s11+$0xFFFFFFF0] =	vst v3  }
0x1b0: {  	[tilespmem:s11+$0x0] =	vst v0  }
0x1b1: {  	[tilespmem:s11+$0x10] =	vst v1  }
0x1b2: {  	[tilespmem:s11+$0x20] =	vst v2  }
0x1b3: {  	[tilespmem:s11+$0xFFFFFFC0] =	vst v4  }
0x1b4: {  	[hbm4b:s15+s20] =	stream.strided.scatter [tilespmem:s6], [sflag:$0x1], $0x1000, s0, s20, $0x38;
	[tilespmem:$0x1E900] =	vst v63  }
0x1b5: {  	_ =	swait.ge [sflag:s8], $0x1000  }
0x1b6: {  	[sflag:s8] =	ssyncset.done $0x0  }
0x1b7: {  	s13 =	simm.s32 $0x1070;
	[sflag:s8] =	ssyncadd.s32 $0xFFFFF000  }
0x1b8: {  	v0 =	vld [tilespmem:s13+$0x0]  }
0x1b9: {  	v1 =	vld [tilespmem:s13+$0xFFFFFFA0]  }
0x1ba: {  	v2 =	vld [tilespmem:s13+$0xFFFFFFB0]  }
0x1bb: {  	v3 =	vld [tilespmem:s13+$0xFFFFFFC0]  }
0x1bc: {  	v4 =	vld [tilespmem:s13+$0xFFFFFFD0]  }
0x1bd: {  	v6 =	vld [tilespmem:s13+$0xFFFFFFE0]  }
0x1be: {  	v7 =	vld [tilespmem:s13+$0xFFFFFFF0]  }
0x1bf: {  	v8 =	vld [tilespmem:s13+$0xFFFFFF90]  }
0x1c0: {  	v9 =	vld.idx.msk [tilespmem:v0+s1+$0x0], $0xffff  }
0x1c1: {  	v10 =	vld.idx.msk [tilespmem:v1+s1+$0x0], $0xffff  }
0x1c2: {  	v5 =	vld.idx.msk [tilespmem:v2+s1+$0x0], $0xffff  }
0x1c3: {  	v3 =	vld.idx.msk [tilespmem:v3+s1+$0x0], $0xffff  }
0x1c4: {  	v0 =	vld.idx.msk [tilespmem:v4+s1+$0x0], $0xffff  }
0x1c5: {  	s11 =	simm.s32 $0x1D740;
	v1 =	vld.idx.msk [tilespmem:v6+s1+$0x0], $0xffff  }
0x1c6: {  	v2 =	vld.idx.msk [tilespmem:v7+s1+$0x0], $0xffff;
	[tilespmem:s11+$0x30] =	vst v9  }
0x1c7: {  	s12 =	simm.s32 $0x0;
	s13 =	simm.s32 $0x10F0;
	v4 =	vld.idx.msk [tilespmem:v8+s1+$0x0], $0xffff;
	[tilespmem:s11+$0xFFFFFFD0] =	vst v10  }
.LBB2_20:
0x1c8: {  	v6 =	vld [tilespmem:s13+$0x0];
	s12 =	sadd.s32 $0x8, s12;
	[tilespmem:s11+$0xFFFFFFE0] =	vst v5  }
0x1c9: {  	v5 =	vld [tilespmem:s13+$0xFFFFFFA0];
	p0 =	slt.u32 s12, $0xF8;
	[tilespmem:s11+$0xFFFFFFF0] =	vst v3  }
0x1ca: {  	v3 =	vld [tilespmem:s13+$0xFFFFFFB0];
	[tilespmem:s11+$0x0] =	vst v0  }
0x1cb: {  	v0 =	vld [tilespmem:s13+$0xFFFFFFC0];
	[tilespmem:s11+$0x10] =	vst v1  }
0x1cc: {  	v1 =	vld [tilespmem:s13+$0xFFFFFFD0];
	[tilespmem:s11+$0x20] =	vst v2  }
0x1cd: {  	v2 =	vld [tilespmem:s13+$0xFFFFFFE0];
	[tilespmem:s11+$0xFFFFFFC0] =	vst v4  }
0x1ce: {  	v4 =	vld [tilespmem:s13+$0xFFFFFFF0]  }
0x1cf: {  	v7 =	vld [tilespmem:s13+$0xFFFFFF90]  }
0x1d0: {  	v6 =	vld.idx.msk [tilespmem:v6+s1+$0x0], $0xffff  }
0x1d1: {  	v8 =	vld.idx.msk [tilespmem:v5+s1+$0x0], $0xffff  }
0x1d2: {  	v5 =	vld.idx.msk [tilespmem:v3+s1+$0x0], $0xffff  }
.Ltmp9:
0x1d3: {  	v3 =	vld.idx.msk [tilespmem:v0+s1+$0x0], $0xffff;
	(pc) =	sbr.rel @p0 .LBB2_20-.Ltmp9, $4  }
0x1d4: {  	v0 =	vld.idx.msk [tilespmem:v1+s1+$0x0], $0xffff  }
0x1d5: {  	s11 =	sadd.s32 $0x80, s11;
	v1 =	vld.idx.msk [tilespmem:v2+s1+$0x0], $0xffff  }
0x1d6: {  	v2 =	vld.idx.msk [tilespmem:v4+s1+$0x0], $0xffff;
	[tilespmem:s11+$0x30] =	vst v6  }
0x1d7: {  	s13 =	sadd.s32 $0x80, s13;
	v4 =	vld.idx.msk [tilespmem:v7+s1+$0x0], $0xffff;
	[tilespmem:s11+$0xFFFFFFD0] =	vst v8  }
0x1d8: {  	[tilespmem:s11+$0xFFFFFFE0] =	vst v5  }
0x1d9: {  	[tilespmem:s11+$0xFFFFFFF0] =	vst v3  }
0x1da: {  	[tilespmem:s11+$0x0] =	vst v0  }
0x1db: {  	[tilespmem:s11+$0x10] =	vst v1  }
0x1dc: {  	[tilespmem:s11+$0x20] =	vst v2  }
0x1dd: {  	[tilespmem:s11+$0xFFFFFFC0] =	vst v4  }
0x1de: {  	[hbm4b:s17+s20] =	stream.strided.scatter [tilespmem:s7], [sflag:$0x1], $0x1000, s0, s20, $0x38;
	[tilespmem:$0x1E900] =	vst v63  }
0x1df: {  	_ =	swait.ge [sflag:s8], $0x1000  }
0x1e0: {  	[sflag:s8] =	ssyncset.done $0x0  }
0x1e1: {  	s13 =	simm.s32 $0x2070;
	[sflag:s8] =	ssyncadd.s32 $0xFFFFF000  }
0x1e2: {  	v0 =	vld [tilespmem:s13+$0x0]  }
0x1e3: {  	v1 =	vld [tilespmem:s13+$0xFFFFFFA0]  }
0x1e4: {  	v2 =	vld [tilespmem:s13+$0xFFFFFFB0]  }
0x1e5: {  	v3 =	vld [tilespmem:s13+$0xFFFFFFC0]  }
0x1e6: {  	v4 =	vld [tilespmem:s13+$0xFFFFFFD0]  }
0x1e7: {  	v6 =	vld [tilespmem:s13+$0xFFFFFFE0]  }
0x1e8: {  	v7 =	vld [tilespmem:s13+$0xFFFFFFF0]  }
0x1e9: {  	v8 =	vld [tilespmem:s13+$0xFFFFFF90]  }
0x1ea: {  	v9 =	vld.idx.msk [tilespmem:v0+s1+$0x0], $0xffff  }
0x1eb: {  	v10 =	vld.idx.msk [tilespmem:v1+s1+$0x0], $0xffff  }
0x1ec: {  	v5 =	vld.idx.msk [tilespmem:v2+s1+$0x0], $0xffff  }
0x1ed: {  	v3 =	vld.idx.msk [tilespmem:v3+s1+$0x0], $0xffff  }
0x1ee: {  	v0 =	vld.idx.msk [tilespmem:v4+s1+$0x0], $0xffff  }
0x1ef: {  	s11 =	simm.s32 $0x1C740;
	v1 =	vld.idx.msk [tilespmem:v6+s1+$0x0], $0xffff  }
0x1f0: {  	v2 =	vld.idx.msk [tilespmem:v7+s1+$0x0], $0xffff;
	[tilespmem:s11+$0x30] =	vst v9  }
0x1f1: {  	s12 =	simm.s32 $0x0;
	s13 =	simm.s32 $0x20F0;
	v4 =	vld.idx.msk [tilespmem:v8+s1+$0x0], $0xffff;
	[tilespmem:s11+$0xFFFFFFD0] =	vst v10  }
.LBB2_22:
0x1f2: {  	v6 =	vld [tilespmem:s13+$0x0];
	s12 =	sadd.s32 $0x8, s12;
	[tilespmem:s11+$0xFFFFFFE0] =	vst v5  }
0x1f3: {  	v5 =	vld [tilespmem:s13+$0xFFFFFFA0];
	p0 =	slt.u32 s12, $0xF8;
	[tilespmem:s11+$0xFFFFFFF0] =	vst v3  }
0x1f4: {  	v3 =	vld [tilespmem:s13+$0xFFFFFFB0];
	[tilespmem:s11+$0x0] =	vst v0  }
0x1f5: {  	v0 =	vld [tilespmem:s13+$0xFFFFFFC0];
	[tilespmem:s11+$0x10] =	vst v1  }
0x1f6: {  	v1 =	vld [tilespmem:s13+$0xFFFFFFD0];
	[tilespmem:s11+$0x20] =	vst v2  }
0x1f7: {  	v2 =	vld [tilespmem:s13+$0xFFFFFFE0];
	[tilespmem:s11+$0xFFFFFFC0] =	vst v4  }
0x1f8: {  	v4 =	vld [tilespmem:s13+$0xFFFFFFF0]  }
0x1f9: {  	v7 =	vld [tilespmem:s13+$0xFFFFFF90]  }
0x1fa: {  	v6 =	vld.idx.msk [tilespmem:v6+s1+$0x0], $0xffff  }
0x1fb: {  	v8 =	vld.idx.msk [tilespmem:v5+s1+$0x0], $0xffff  }
0x1fc: {  	v5 =	vld.idx.msk [tilespmem:v3+s1+$0x0], $0xffff  }
.Ltmp10:
0x1fd: {  	v3 =	vld.idx.msk [tilespmem:v0+s1+$0x0], $0xffff;
	(pc) =	sbr.rel @p0 .LBB2_22-.Ltmp10, $4  }
0x1fe: {  	v0 =	vld.idx.msk [tilespmem:v1+s1+$0x0], $0xffff  }
0x1ff: {  	s11 =	sadd.s32 $0x80, s11;
	v1 =	vld.idx.msk [tilespmem:v2+s1+$0x0], $0xffff  }
0x200: {  	v2 =	vld.idx.msk [tilespmem:v4+s1+$0x0], $0xffff;
	[tilespmem:s11+$0x30] =	vst v6  }
0x201: {  	s13 =	sadd.s32 $0x80, s13;
	v4 =	vld.idx.msk [tilespmem:v7+s1+$0x0], $0xffff;
	[tilespmem:s11+$0xFFFFFFD0] =	vst v8  }
0x202: {  	[tilespmem:s11+$0xFFFFFFE0] =	vst v5  }
0x203: {  	[tilespmem:s11+$0xFFFFFFF0] =	vst v3  }
0x204: {  	[tilespmem:s11+$0x0] =	vst v0  }
0x205: {  	[tilespmem:s11+$0x10] =	vst v1  }
0x206: {  	[tilespmem:s11+$0x20] =	vst v2  }
0x207: {  	[tilespmem:s11+$0xFFFFFFC0] =	vst v4  }
0x208: {  	[hbm4b:s18+s20] =	stream.strided.scatter [tilespmem:s6], [sflag:$0x1], $0x1000, s0, s20, $0x38;
	[tilespmem:$0x1E900] =	vst v63  }
0x209: {  	_ =	swait.ge [sflag:s8], $0x1000  }
0x20a: {  	[sflag:s8] =	ssyncset.done $0x0  }
0x20b: {  	s13 =	simm.s32 $0x3070;
	[sflag:s8] =	ssyncadd.s32 $0xFFFFF000  }
0x20c: {  	v0 =	vld [tilespmem:s13+$0x0]  }
0x20d: {  	v1 =	vld [tilespmem:s13+$0xFFFFFFA0]  }
0x20e: {  	v2 =	vld [tilespmem:s13+$0xFFFFFFB0]  }
0x20f: {  	v3 =	vld [tilespmem:s13+$0xFFFFFFC0]  }
0x210: {  	v4 =	vld [tilespmem:s13+$0xFFFFFFD0]  }
0x211: {  	v6 =	vld [tilespmem:s13+$0xFFFFFFE0]  }
0x212: {  	v7 =	vld [tilespmem:s13+$0xFFFFFFF0]  }
0x213: {  	v8 =	vld [tilespmem:s13+$0xFFFFFF90]  }
0x214: {  	v9 =	vld.idx.msk [tilespmem:v0+s1+$0x0], $0xffff  }
0x215: {  	v10 =	vld.idx.msk [tilespmem:v1+s1+$0x0], $0xffff  }
0x216: {  	v5 =	vld.idx.msk [tilespmem:v2+s1+$0x0], $0xffff  }
0x217: {  	v3 =	vld.idx.msk [tilespmem:v3+s1+$0x0], $0xffff  }
0x218: {  	v0 =	vld.idx.msk [tilespmem:v4+s1+$0x0], $0xffff  }
0x219: {  	s11 =	simm.s32 $0x1D740;
	v1 =	vld.idx.msk [tilespmem:v6+s1+$0x0], $0xffff  }
0x21a: {  	v2 =	vld.idx.msk [tilespmem:v7+s1+$0x0], $0xffff;
	[tilespmem:s11+$0x30] =	vst v9  }
0x21b: {  	s12 =	simm.s32 $0x0;
	s13 =	simm.s32 $0x30F0;
	v4 =	vld.idx.msk [tilespmem:v8+s1+$0x0], $0xffff;
	[tilespmem:s11+$0xFFFFFFD0] =	vst v10  }
.LBB2_24:
0x21c: {  	v6 =	vld [tilespmem:s13+$0x0];
	s12 =	sadd.s32 $0x8, s12;
	[tilespmem:s11+$0xFFFFFFE0] =	vst v5  }
0x21d: {  	v5 =	vld [tilespmem:s13+$0xFFFFFFA0];
	p0 =	slt.u32 s12, $0xF8;
	[tilespmem:s11+$0xFFFFFFF0] =	vst v3  }
0x21e: {  	v3 =	vld [tilespmem:s13+$0xFFFFFFB0];
	[tilespmem:s11+$0x0] =	vst v0  }
0x21f: {  	v0 =	vld [tilespmem:s13+$0xFFFFFFC0];
	[tilespmem:s11+$0x10] =	vst v1  }
0x220: {  	v1 =	vld [tilespmem:s13+$0xFFFFFFD0];
	[tilespmem:s11+$0x20] =	vst v2  }
0x221: {  	v2 =	vld [tilespmem:s13+$0xFFFFFFE0];
	[tilespmem:s11+$0xFFFFFFC0] =	vst v4  }
0x222: {  	v4 =	vld [tilespmem:s13+$0xFFFFFFF0]  }
0x223: {  	v7 =	vld [tilespmem:s13+$0xFFFFFF90]  }
0x224: {  	v6 =	vld.idx.msk [tilespmem:v6+s1+$0x0], $0xffff  }
0x225: {  	v8 =	vld.idx.msk [tilespmem:v5+s1+$0x0], $0xffff  }
0x226: {  	v5 =	vld.idx.msk [tilespmem:v3+s1+$0x0], $0xffff  }
.Ltmp11:
0x227: {  	v3 =	vld.idx.msk [tilespmem:v0+s1+$0x0], $0xffff;
	(pc) =	sbr.rel @p0 .LBB2_24-.Ltmp11, $4  }
0x228: {  	v0 =	vld.idx.msk [tilespmem:v1+s1+$0x0], $0xffff  }
0x229: {  	s11 =	sadd.s32 $0x80, s11;
	v1 =	vld.idx.msk [tilespmem:v2+s1+$0x0], $0xffff  }
0x22a: {  	v2 =	vld.idx.msk [tilespmem:v4+s1+$0x0], $0xffff;
	[tilespmem:s11+$0x30] =	vst v6  }
0x22b: {  	s13 =	sadd.s32 $0x80, s13;
	v4 =	vld.idx.msk [tilespmem:v7+s1+$0x0], $0xffff;
	[tilespmem:s11+$0xFFFFFFD0] =	vst v8  }
0x22c: {  	[tilespmem:s11+$0xFFFFFFE0] =	vst v5  }
0x22d: {  	[tilespmem:s11+$0xFFFFFFF0] =	vst v3  }
0x22e: {  	[tilespmem:s11+$0x0] =	vst v0  }
0x22f: {  	[tilespmem:s11+$0x10] =	vst v1  }
0x230: {  	[tilespmem:s11+$0x20] =	vst v2  }
0x231: {  	[tilespmem:s11+$0xFFFFFFC0] =	vst v4  }
0x232: {  	[hbm4b:s19+s20] =	stream.strided.scatter [tilespmem:s7], [sflag:$0x1], $0x1000, s0, s20, $0x38;
	[tilespmem:$0x1E900] =	vst v63  }
0x233: {  	_ = 	snop  }
0x234: {  	[tilespmem:s1], [sflag:$0x4] =	stream.strided.gather [hbm4b:s16+s20], $0x18700, s0, s20, $0x38;
	[tilespmem:$0x1E900] =	vst v63  }
0x235: {  	_ =	swait.ge [sflag:s2], $0x18700  }
0x236: {  	[sflag:s2] =	ssyncset.done $0x0  }
0x237: {  	[sflag:s2] =	ssyncadd.s32 $0xFFFE7900  }
0x238: {  	_ =	swait.ge [sflag:s8], $0x1000  }
0x239: {  	[sflag:s8] =	ssyncset.done $0x0  }
0x23a: {  	s13 =	simm.s32 $0x40;
	[sflag:s8] =	ssyncadd.s32 $0xFFFFF000  }
0x23b: {  	v0 =	vld [tilespmem:s13+$0x30]  }
0x23c: {  	v1 =	vld [tilespmem:s13+$0xFFFFFFD0]  }
0x23d: {  	v2 =	vld [tilespmem:s13+$0xFFFFFFE0]  }
0x23e: {  	v3 =	vld [tilespmem:s13+$0xFFFFFFF0]  }
0x23f: {  	v4 =	vld [tilespmem:s13+$0x0]  }
0x240: {  	v6 =	vld [tilespmem:s13+$0x10]  }
0x241: {  	v7 =	vld [tilespmem:s13+$0x20]  }
0x242: {  	v8 =	vld [tilespmem:s13+$0xFFFFFFC0]  }
0x243: {  	v9 =	vld.idx.msk [tilespmem:v0+s1+$0x0], $0xffff  }
0x244: {  	v10 =	vld.idx.msk [tilespmem:v1+s1+$0x0], $0xffff  }
0x245: {  	v5 =	vld.idx.msk [tilespmem:v2+s1+$0x0], $0xffff  }
0x246: {  	v3 =	vld.idx.msk [tilespmem:v3+s1+$0x0], $0xffff  }
0x247: {  	v0 =	vld.idx.msk [tilespmem:v4+s1+$0x0], $0xffff  }
0x248: {  	s11 =	simm.s32 $0x1C740;
	v1 =	vld.idx.msk [tilespmem:v6+s1+$0x0], $0xffff  }
0x249: {  	v2 =	vld.idx.msk [tilespmem:v7+s1+$0x0], $0xffff;
	[tilespmem:s11+$0x30] =	vst v9  }
0x24a: {  	s12 =	simm.s32 $0x0;
	s13 =	simm.s32 $0xC0;
	v4 =	vld.idx.msk [tilespmem:v8+s1+$0x0], $0xffff;
	[tilespmem:s11+$0xFFFFFFD0] =	vst v10  }
.LBB2_26:
0x24b: {  	v6 =	vld [tilespmem:s13+$0x30];
	s12 =	sadd.s32 $0x8, s12;
	[tilespmem:s11+$0xFFFFFFE0] =	vst v5  }
0x24c: {  	v5 =	vld [tilespmem:s13+$0xFFFFFFD0];
	p0 =	slt.u32 s12, $0xF8;
	[tilespmem:s11+$0xFFFFFFF0] =	vst v3  }
0x24d: {  	v3 =	vld [tilespmem:s13+$0xFFFFFFE0];
	[tilespmem:s11+$0x0] =	vst v0  }
0x24e: {  	v0 =	vld [tilespmem:s13+$0xFFFFFFF0];
	[tilespmem:s11+$0x10] =	vst v1  }
0x24f: {  	v1 =	vld [tilespmem:s13+$0x0];
	[tilespmem:s11+$0x20] =	vst v2  }
0x250: {  	v2 =	vld [tilespmem:s13+$0x10];
	[tilespmem:s11+$0xFFFFFFC0] =	vst v4  }
0x251: {  	v4 =	vld [tilespmem:s13+$0x20]  }
0x252: {  	v7 =	vld [tilespmem:s13+$0xFFFFFFC0]  }
0x253: {  	v6 =	vld.idx.msk [tilespmem:v6+s1+$0x0], $0xffff  }
0x254: {  	v8 =	vld.idx.msk [tilespmem:v5+s1+$0x0], $0xffff  }
0x255: {  	v5 =	vld.idx.msk [tilespmem:v3+s1+$0x0], $0xffff  }
.Ltmp12:
0x256: {  	v3 =	vld.idx.msk [tilespmem:v0+s1+$0x0], $0xffff;
	(pc) =	sbr.rel @p0 .LBB2_26-.Ltmp12, $4  }
0x257: {  	v0 =	vld.idx.msk [tilespmem:v1+s1+$0x0], $0xffff  }
0x258: {  	s11 =	sadd.s32 $0x80, s11;
	v1 =	vld.idx.msk [tilespmem:v2+s1+$0x0], $0xffff  }
0x259: {  	v2 =	vld.idx.msk [tilespmem:v4+s1+$0x0], $0xffff;
	[tilespmem:s11+$0x30] =	vst v6  }
0x25a: {  	s13 =	sadd.s32 $0x80, s13;
	v4 =	vld.idx.msk [tilespmem:v7+s1+$0x0], $0xffff;
	[tilespmem:s11+$0xFFFFFFD0] =	vst v8  }
0x25b: {  	[tilespmem:s11+$0xFFFFFFE0] =	vst v5  }
0x25c: {  	[tilespmem:s11+$0xFFFFFFF0] =	vst v3  }
0x25d: {  	[tilespmem:s11+$0x0] =	vst v0  }
0x25e: {  	[tilespmem:s11+$0x10] =	vst v1  }
0x25f: {  	[tilespmem:s11+$0x20] =	vst v2  }
0x260: {  	[tilespmem:s11+$0xFFFFFFC0] =	vst v4  }
0x261: {  	[hbm4b:s24+s20] =	stream.strided.scatter [tilespmem:s6], [sflag:$0x1], $0x1000, s0, s20, $0x38;
	[tilespmem:$0x1E900] =	vst v63  }
0x262: {  	_ =	swait.ge [sflag:s8], $0x1000  }
0x263: {  	[sflag:s8] =	ssyncset.done $0x0  }
0x264: {  	s13 =	simm.s32 $0x1070;
	[sflag:s8] =	ssyncadd.s32 $0xFFFFF000  }
0x265: {  	v0 =	vld [tilespmem:s13+$0x0]  }
0x266: {  	v1 =	vld [tilespmem:s13+$0xFFFFFFA0]  }
0x267: {  	v2 =	vld [tilespmem:s13+$0xFFFFFFB0]  }
0x268: {  	v3 =	vld [tilespmem:s13+$0xFFFFFFC0]  }
0x269: {  	v4 =	vld [tilespmem:s13+$0xFFFFFFD0]  }
0x26a: {  	v6 =	vld [tilespmem:s13+$0xFFFFFFE0]  }
0x26b: {  	v7 =	vld [tilespmem:s13+$0xFFFFFFF0]  }
0x26c: {  	v8 =	vld [tilespmem:s13+$0xFFFFFF90]  }
0x26d: {  	v9 =	vld.idx.msk [tilespmem:v0+s1+$0x0], $0xffff  }
0x26e: {  	v10 =	vld.idx.msk [tilespmem:v1+s1+$0x0], $0xffff  }
0x26f: {  	v5 =	vld.idx.msk [tilespmem:v2+s1+$0x0], $0xffff  }
0x270: {  	v3 =	vld.idx.msk [tilespmem:v3+s1+$0x0], $0xffff  }
0x271: {  	v0 =	vld.idx.msk [tilespmem:v4+s1+$0x0], $0xffff  }
0x272: {  	s11 =	simm.s32 $0x1D740;
	v1 =	vld.idx.msk [tilespmem:v6+s1+$0x0], $0xffff  }
0x273: {  	v2 =	vld.idx.msk [tilespmem:v7+s1+$0x0], $0xffff;
	[tilespmem:s11+$0x30] =	vst v9  }
0x274: {  	s12 =	simm.s32 $0x0;
	s13 =	simm.s32 $0x10F0;
	v4 =	vld.idx.msk [tilespmem:v8+s1+$0x0], $0xffff;
	[tilespmem:s11+$0xFFFFFFD0] =	vst v10  }
.LBB2_28:
0x275: {  	v6 =	vld [tilespmem:s13+$0x0];
	s12 =	sadd.s32 $0x8, s12;
	[tilespmem:s11+$0xFFFFFFE0] =	vst v5  }
0x276: {  	v5 =	vld [tilespmem:s13+$0xFFFFFFA0];
	p0 =	slt.u32 s12, $0xF8;
	[tilespmem:s11+$0xFFFFFFF0] =	vst v3  }
0x277: {  	v3 =	vld [tilespmem:s13+$0xFFFFFFB0];
	[tilespmem:s11+$0x0] =	vst v0  }
0x278: {  	v0 =	vld [tilespmem:s13+$0xFFFFFFC0];
	[tilespmem:s11+$0x10] =	vst v1  }
0x279: {  	v1 =	vld [tilespmem:s13+$0xFFFFFFD0];
	[tilespmem:s11+$0x20] =	vst v2  }
0x27a: {  	v2 =	vld [tilespmem:s13+$0xFFFFFFE0];
	[tilespmem:s11+$0xFFFFFFC0] =	vst v4  }
0x27b: {  	v4 =	vld [tilespmem:s13+$0xFFFFFFF0]  }
0x27c: {  	v7 =	vld [tilespmem:s13+$0xFFFFFF90]  }
0x27d: {  	v6 =	vld.idx.msk [tilespmem:v6+s1+$0x0], $0xffff  }
0x27e: {  	v8 =	vld.idx.msk [tilespmem:v5+s1+$0x0], $0xffff  }
0x27f: {  	v5 =	vld.idx.msk [tilespmem:v3+s1+$0x0], $0xffff  }
.Ltmp13:
0x280: {  	v3 =	vld.idx.msk [tilespmem:v0+s1+$0x0], $0xffff;
	(pc) =	sbr.rel @p0 .LBB2_28-.Ltmp13, $4  }
0x281: {  	v0 =	vld.idx.msk [tilespmem:v1+s1+$0x0], $0xffff  }
0x282: {  	s11 =	sadd.s32 $0x80, s11;
	v1 =	vld.idx.msk [tilespmem:v2+s1+$0x0], $0xffff  }
0x283: {  	v2 =	vld.idx.msk [tilespmem:v4+s1+$0x0], $0xffff;
	[tilespmem:s11+$0x30] =	vst v6  }
0x284: {  	s13 =	sadd.s32 $0x80, s13;
	v4 =	vld.idx.msk [tilespmem:v7+s1+$0x0], $0xffff;
	[tilespmem:s11+$0xFFFFFFD0] =	vst v8  }
0x285: {  	[tilespmem:s11+$0xFFFFFFE0] =	vst v5  }
0x286: {  	[tilespmem:s11+$0xFFFFFFF0] =	vst v3  }
0x287: {  	[tilespmem:s11+$0x0] =	vst v0  }
0x288: {  	[tilespmem:s11+$0x10] =	vst v1  }
0x289: {  	[tilespmem:s11+$0x20] =	vst v2  }
0x28a: {  	[tilespmem:s11+$0xFFFFFFC0] =	vst v4  }
0x28b: {  	[hbm4b:s21+s20] =	stream.strided.scatter [tilespmem:s7], [sflag:$0x1], $0x1000, s0, s20, $0x38;
	[tilespmem:$0x1E900] =	vst v63  }
0x28c: {  	_ =	swait.ge [sflag:s8], $0x1000  }
0x28d: {  	[sflag:s8] =	ssyncset.done $0x0  }
0x28e: {  	s13 =	simm.s32 $0x2070;
	[sflag:s8] =	ssyncadd.s32 $0xFFFFF000  }
0x28f: {  	v0 =	vld [tilespmem:s13+$0x0]  }
0x290: {  	v1 =	vld [tilespmem:s13+$0xFFFFFFA0]  }
0x291: {  	v2 =	vld [tilespmem:s13+$0xFFFFFFB0]  }
0x292: {  	v3 =	vld [tilespmem:s13+$0xFFFFFFC0]  }
0x293: {  	v4 =	vld [tilespmem:s13+$0xFFFFFFD0]  }
0x294: {  	v6 =	vld [tilespmem:s13+$0xFFFFFFE0]  }
0x295: {  	v7 =	vld [tilespmem:s13+$0xFFFFFFF0]  }
0x296: {  	v8 =	vld [tilespmem:s13+$0xFFFFFF90]  }
0x297: {  	v9 =	vld.idx.msk [tilespmem:v0+s1+$0x0], $0xffff  }
0x298: {  	v10 =	vld.idx.msk [tilespmem:v1+s1+$0x0], $0xffff  }
0x299: {  	v5 =	vld.idx.msk [tilespmem:v2+s1+$0x0], $0xffff  }
0x29a: {  	v3 =	vld.idx.msk [tilespmem:v3+s1+$0x0], $0xffff  }
0x29b: {  	v0 =	vld.idx.msk [tilespmem:v4+s1+$0x0], $0xffff  }
0x29c: {  	s11 =	simm.s32 $0x1C740;
	v1 =	vld.idx.msk [tilespmem:v6+s1+$0x0], $0xffff  }
0x29d: {  	v2 =	vld.idx.msk [tilespmem:v7+s1+$0x0], $0xffff;
	[tilespmem:s11+$0x30] =	vst v9  }
0x29e: {  	s12 =	simm.s32 $0x0;
	s13 =	simm.s32 $0x20F0;
	v4 =	vld.idx.msk [tilespmem:v8+s1+$0x0], $0xffff;
	[tilespmem:s11+$0xFFFFFFD0] =	vst v10  }
.LBB2_30:
0x29f: {  	v6 =	vld [tilespmem:s13+$0x0];
	s12 =	sadd.s32 $0x8, s12;
	[tilespmem:s11+$0xFFFFFFE0] =	vst v5  }
0x2a0: {  	v5 =	vld [tilespmem:s13+$0xFFFFFFA0];
	p0 =	slt.u32 s12, $0xF8;
	[tilespmem:s11+$0xFFFFFFF0] =	vst v3  }
0x2a1: {  	v3 =	vld [tilespmem:s13+$0xFFFFFFB0];
	[tilespmem:s11+$0x0] =	vst v0  }
0x2a2: {  	v0 =	vld [tilespmem:s13+$0xFFFFFFC0];
	[tilespmem:s11+$0x10] =	vst v1  }
0x2a3: {  	v1 =	vld [tilespmem:s13+$0xFFFFFFD0];
	[tilespmem:s11+$0x20] =	vst v2  }
0x2a4: {  	v2 =	vld [tilespmem:s13+$0xFFFFFFE0];
	[tilespmem:s11+$0xFFFFFFC0] =	vst v4  }
0x2a5: {  	v4 =	vld [tilespmem:s13+$0xFFFFFFF0]  }
0x2a6: {  	v7 =	vld [tilespmem:s13+$0xFFFFFF90]  }
0x2a7: {  	v6 =	vld.idx.msk [tilespmem:v6+s1+$0x0], $0xffff  }
0x2a8: {  	v8 =	vld.idx.msk [tilespmem:v5+s1+$0x0], $0xffff  }
0x2a9: {  	v5 =	vld.idx.msk [tilespmem:v3+s1+$0x0], $0xffff  }
.Ltmp14:
0x2aa: {  	v3 =	vld.idx.msk [tilespmem:v0+s1+$0x0], $0xffff;
	(pc) =	sbr.rel @p0 .LBB2_30-.Ltmp14, $4  }
0x2ab: {  	v0 =	vld.idx.msk [tilespmem:v1+s1+$0x0], $0xffff  }
0x2ac: {  	s11 =	sadd.s32 $0x80, s11;
	v1 =	vld.idx.msk [tilespmem:v2+s1+$0x0], $0xffff  }
0x2ad: {  	v2 =	vld.idx.msk [tilespmem:v4+s1+$0x0], $0xffff;
	[tilespmem:s11+$0x30] =	vst v6  }
0x2ae: {  	s13 =	sadd.s32 $0x80, s13;
	v4 =	vld.idx.msk [tilespmem:v7+s1+$0x0], $0xffff;
	[tilespmem:s11+$0xFFFFFFD0] =	vst v8  }
0x2af: {  	[tilespmem:s11+$0xFFFFFFE0] =	vst v5  }
0x2b0: {  	[tilespmem:s11+$0xFFFFFFF0] =	vst v3  }
0x2b1: {  	[tilespmem:s11+$0x0] =	vst v0  }
0x2b2: {  	[tilespmem:s11+$0x10] =	vst v1  }
0x2b3: {  	[tilespmem:s11+$0x20] =	vst v2  }
0x2b4: {  	[tilespmem:s11+$0xFFFFFFC0] =	vst v4  }
0x2b5: {  	[hbm4b:s22+s20] =	stream.strided.scatter [tilespmem:s6], [sflag:$0x1], $0x1000, s0, s20, $0x38;
	[tilespmem:$0x1E900] =	vst v63  }
0x2b6: {  	_ =	swait.ge [sflag:s8], $0x1000  }
0x2b7: {  	[sflag:s8] =	ssyncset.done $0x0  }
0x2b8: {  	s13 =	simm.s32 $0x3070;
	[sflag:s8] =	ssyncadd.s32 $0xFFFFF000  }
0x2b9: {  	v0 =	vld [tilespmem:s13+$0x0]  }
0x2ba: {  	v1 =	vld [tilespmem:s13+$0xFFFFFFA0]  }
0x2bb: {  	v2 =	vld [tilespmem:s13+$0xFFFFFFB0]  }
0x2bc: {  	v3 =	vld [tilespmem:s13+$0xFFFFFFC0]  }
0x2bd: {  	v4 =	vld [tilespmem:s13+$0xFFFFFFD0]  }
0x2be: {  	v6 =	vld [tilespmem:s13+$0xFFFFFFE0]  }
0x2bf: {  	v7 =	vld [tilespmem:s13+$0xFFFFFFF0]  }
0x2c0: {  	v8 =	vld [tilespmem:s13+$0xFFFFFF90]  }
0x2c1: {  	v9 =	vld.idx.msk [tilespmem:v0+s1+$0x0], $0xffff  }
0x2c2: {  	v10 =	vld.idx.msk [tilespmem:v1+s1+$0x0], $0xffff  }
0x2c3: {  	v5 =	vld.idx.msk [tilespmem:v2+s1+$0x0], $0xffff  }
0x2c4: {  	v3 =	vld.idx.msk [tilespmem:v3+s1+$0x0], $0xffff  }
0x2c5: {  	v0 =	vld.idx.msk [tilespmem:v4+s1+$0x0], $0xffff  }
0x2c6: {  	s11 =	simm.s32 $0x1D740;
	v1 =	vld.idx.msk [tilespmem:v6+s1+$0x0], $0xffff  }
0x2c7: {  	v2 =	vld.idx.msk [tilespmem:v7+s1+$0x0], $0xffff;
	[tilespmem:s11+$0x30] =	vst v9  }
0x2c8: {  	s12 =	simm.s32 $0x0;
	s13 =	simm.s32 $0x30F0;
	v4 =	vld.idx.msk [tilespmem:v8+s1+$0x0], $0xffff;
	[tilespmem:s11+$0xFFFFFFD0] =	vst v10  }
.LBB2_32:
0x2c9: {  	v6 =	vld [tilespmem:s13+$0x0];
	s12 =	sadd.s32 $0x8, s12;
	[tilespmem:s11+$0xFFFFFFE0] =	vst v5  }
0x2ca: {  	v5 =	vld [tilespmem:s13+$0xFFFFFFA0];
	p0 =	slt.u32 s12, $0xF8;
	[tilespmem:s11+$0xFFFFFFF0] =	vst v3  }
0x2cb: {  	v3 =	vld [tilespmem:s13+$0xFFFFFFB0];
	[tilespmem:s11+$0x0] =	vst v0  }
0x2cc: {  	v0 =	vld [tilespmem:s13+$0xFFFFFFC0];
	[tilespmem:s11+$0x10] =	vst v1  }
0x2cd: {  	v1 =	vld [tilespmem:s13+$0xFFFFFFD0];
	[tilespmem:s11+$0x20] =	vst v2  }
0x2ce: {  	v2 =	vld [tilespmem:s13+$0xFFFFFFE0];
	[tilespmem:s11+$0xFFFFFFC0] =	vst v4  }
0x2cf: {  	v4 =	vld [tilespmem:s13+$0xFFFFFFF0]  }
0x2d0: {  	v7 =	vld [tilespmem:s13+$0xFFFFFF90]  }
0x2d1: {  	v6 =	vld.idx.msk [tilespmem:v6+s1+$0x0], $0xffff  }
0x2d2: {  	v8 =	vld.idx.msk [tilespmem:v5+s1+$0x0], $0xffff  }
0x2d3: {  	v5 =	vld.idx.msk [tilespmem:v3+s1+$0x0], $0xffff  }
.Ltmp15:
0x2d4: {  	v3 =	vld.idx.msk [tilespmem:v0+s1+$0x0], $0xffff;
	(pc) =	sbr.rel @p0 .LBB2_32-.Ltmp15, $4  }
0x2d5: {  	v0 =	vld.idx.msk [tilespmem:v1+s1+$0x0], $0xffff  }
0x2d6: {  	s11 =	sadd.s32 $0x80, s11;
	v1 =	vld.idx.msk [tilespmem:v2+s1+$0x0], $0xffff  }
0x2d7: {  	v2 =	vld.idx.msk [tilespmem:v4+s1+$0x0], $0xffff;
	[tilespmem:s11+$0x30] =	vst v6  }
0x2d8: {  	s13 =	sadd.s32 $0x80, s13;
	v4 =	vld.idx.msk [tilespmem:v7+s1+$0x0], $0xffff;
	[tilespmem:s11+$0xFFFFFFD0] =	vst v8  }
0x2d9: {  	[tilespmem:s11+$0xFFFFFFE0] =	vst v5  }
0x2da: {  	[tilespmem:s11+$0xFFFFFFF0] =	vst v3  }
0x2db: {  	[tilespmem:s11+$0x0] =	vst v0  }
0x2dc: {  	[tilespmem:s11+$0x10] =	vst v1  }
0x2dd: {  	[tilespmem:s11+$0x20] =	vst v2  }
0x2de: {  	[tilespmem:s11+$0xFFFFFFC0] =	vst v4  }
0x2df: {  	[hbm4b:s25+s20] =	stream.strided.scatter [tilespmem:s7], [sflag:$0x1], $0x1000, s0, s20, $0x38;
	[tilespmem:$0x1E900] =	vst v63  }
0x2e0: {  	_ =	swait.ge [sflag:s8], $0x1000  }
0x2e1: {  	[sflag:s8] =	ssyncset.done $0x0  }
0x2e2: {  	[sflag:s8] =	ssyncadd.s32 $0xFFFFF000  }
0x2e3: {  	_ =	swait.ge [sflag:s8], $0x1000  }
0x2e4: {  	[sflag:s8] =	ssyncset.done $0x0  }
0x2e5: {  	[sflag:s8] =	ssyncadd.s32 $0xFFFFF000  }
0x2e6: {  	_ =	swait.ge [sflag:s9], $0x80  }
0x2e7: {  	[sflag:s9] =	ssyncset.done $0x0  }
0x2e8: {  	[sflag:s9] =	ssyncadd.s32 $0xFFFFFF80  }
0x2e9: {  	_ =	swait.ge [sflag:s9], $0x80  }
0x2ea: {  	[sflag:s9] =	ssyncset.done $0x0  }
0x2eb: {  	[sflag:s9] =	ssyncadd.s32 $0xFFFFFF80  }
0x2ec: {  	_ =	swait.ge [sflag:s9], $0x80  }
0x2ed: {  	[sflag:s9] =	ssyncset.done $0x0  }
0x2ee: {  	[sflag:s9] =	ssyncadd.s32 $0xFFFFFF80  }
0x2ef: {  	s10 =	sadd.s32 $0x1, s10;
	_ =	swait.ge [sflag:s9], $0x80  }
0x2f0: {  	p0 =	sne.s32 s10, s28;
	[sflag:s9] =	ssyncset.done $0x0  }
.Ltmp16:
0x2f1: {  	[sflag:s9] =	ssyncadd.s32 $0xFFFFFF80;
	(pc) =	sbr.rel @p0 .LBB2_1-.Ltmp16, $4  }
0x2f2: {  	[hbm4b:s26+s20] =	stream.strided.scatter [tilespmem:s3], [sflag:$0x4], $0x200, s0, s20, $0x38;
	[tilespmem:$0x1E900] =	vst v63  }
0x2f3: {  	_ =	swait.ge [sflag:s2], $0x200  }
0x2f4: {  	[sflag:s2] =	ssyncset.done $0x0  }
0x2f5: {  	[sflag:s2] =	ssyncadd.s32 $0xFFFFFE00  }
0x2f6: {  	_ =	sfence.sel $0x180000  }
0x2f7: {  	[bflag:$0x0] =	sbarrier.arrive $0xFFFF  }
0x2f8: {  	_ =	strace $0x90000047  }
0x2f9: {  	s0 =	stileid.u32;
	[bflag:$0x2] =	sbarrier.arrive $0xFFFF  }
0x2fa: {  	p0 =	sne.s32 s0, $0x0;
	s0 =	rddreg [dreg:$0x4]  }
0x2fb: {  	s0 =	sadd.s32 @!p0 $0x100000, s0  }
0x2fc: {  	[sflag:s0] =	ssyncadd.tile.s32 @!p0 $0x1;
	_ =	shalt  }
.Lfunc_end2:
_tile_overlayer_lowered:
.L_overlay_start_2:
0x2fd: {  	(tag) =	ssettag $0x2  }
0x2fe: {  	s0 =	rddreg [dreg:$0x0];
	s2 =	stileid.u32  }
0x2ff: {  	s1 =	rddreg [dreg:$0x1];
	p0 =	sne.s32 s2, $0x0  }
0x300: {  	s3 =	rddreg [dreg:$0x2];
	[bflag:$0x3] =	sbarrier.arrive $0xFFFF;
	s2 =	simm.s32 @!p0 $0x1C04  }
0x301: {  	[timem:s3], [sflag:s2] =	dma.local @!p0 [hbm:s0], s1  }
0x302: {  	s0 =	simm.s32 @!p0 $0x4  }
0x303: {  	_ =	swait.ge @!p0 [sflag:s0], s1  }
0x304: {  	s1 =	ssub.s32 @!p0 $0x0, s1;
	[sflag:s0] =	ssyncset.done @!p0 $0x0  }
0x305: {  	[sflag:s0] =	ssyncadd.s32 @!p0 s1  }
0x306: {  	[bflag:$0x3] =	sbarrier.arrive $0xFFFF  }
0x307: {  	_ =	shalt  }

</sc_bundles>
